<compile_context>
chip_gen: v7x
topology: tpu7x:2x2x1
jax: 0.10.2.dev20260603
libtpu: 0.0.44.dev20260713+nightly
codegen_flags: <defaults>
</compile_context>

<pallas_src>
import functools
import math

import jax
import jax.numpy as jnp
from jax.experimental import pallas as pl
from jax.experimental.pallas import tpu as pltpu
from jax.experimental.pallas import tpu_sc as plsc

_HI = jax.lax.Precision.HIGHEST


def _stage_a(x_ref, wmu_ref, bmu_ref, wlv_ref, blv_ref, bits_ref):
    bs, d = x_ref.shape
    s = 2048
    x2 = x_ref[...]
    mu = jnp.dot(x2, wmu_ref[...], preferred_element_type=jnp.float32) + bmu_ref[...]
    lv = jnp.dot(x2, wlv_ref[...], preferred_element_type=jnp.float32) + blv_ref[...]
    lv = jnp.clip(lv, -8.0, 8.0)
    z = jnp.zeros((1, d), dtype=jnp.float32)
    mu_s = jnp.concatenate([z, mu[:-1]], axis=0)
    lv_s = jnp.concatenate([z, lv[:-1]], axis=0)
    scale = 0.5 / math.log(2.0)
    log_2pi = math.log(2.0 * math.pi)
    dx = x2 - mu_s
    t = jnp.square(dx) * jnp.exp(-lv_s) + lv_s + log_2pi
    bpd = jnp.mean(t, axis=-1, keepdims=True) * scale
    row = jax.lax.broadcasted_iota(jnp.int32, (bs, 1), 0)
    bits_ref[...] = jnp.where(row % s == 0, 0.0, bpd)


def _stage_b1(bits_ref, vf_ref, pe_ref, seg_ref, sc_ref):
    b, s = bits_ref.shape
    jc = 512
    bits = bits_ref[...]
    vf = vf_ref[...]
    sum_bits = jnp.sum(bits * vf)
    nv = jnp.sum(vf)
    nv0 = jnp.sum(vf[:, 0:1])
    thr = sum_bits / jnp.maximum(nv, 1.0)
    ent = sum_bits / jnp.maximum(nv - nv0, 1.0)
    colio = jax.lax.broadcasted_iota(jnp.int32, (b, s), 1)
    pe_bool = jnp.logical_and(bits > thr, vf > 0.0)
    pe = jnp.where(colio == s - 1, 1.0, jnp.where(pe_bool, 1.0, 0.0))
    pe_ref[...] = pe
    rio = jax.lax.broadcasted_iota(jnp.int32, (s, jc), 0)
    cio = jax.lax.broadcasted_iota(jnp.int32, (s, jc), 1)
    incs = []
    for c in range(s // jc):
        tri = (rio <= cio + c * jc).astype(jnp.float32)
        incs.append(jnp.dot(pe, tri, preferred_element_type=jnp.float32))
    inc = jnp.concatenate(incs, axis=1)
    seg_ref[0] = inc - pe
    io8 = jax.lax.broadcasted_iota(jnp.int32, (1, 8), 1)
    sc_ref[...] = jnp.where(io8 == 0, ent, jnp.where(io8 == 1, thr, 0.0))


def _stage_b2(seg_ref, x_ref, vfc_ref, pooled_ref, sv_ref, ns_ref):
    s, d = x_ref.shape
    jc = 512
    bb = pl.program_id(0)

    @pl.when(bb == 0)
    def _():
        ns_ref[...] = jnp.zeros_like(ns_ref)

    segb = seg_ref[0]
    vcb = vfc_ref[...]
    xm = x_ref[...] * vcb
    jio = jax.lax.broadcasted_iota(jnp.int32, (jc, 1), 0).astype(jnp.float32)
    cdn = (((1,), (0,)), ((), ()))
    nsegs = jnp.float32(0.0)
    for c in range(s // jc):
        a = (segb == (jio + c * jc)).astype(jnp.float32)
        sums = jax.lax.dot_general(a, xm, cdn, precision=_HI,
                                   preferred_element_type=jnp.float32)
        cnts = jax.lax.dot_general(a, vcb, cdn, precision=_HI,
                                   preferred_element_type=jnp.float32)
        pooled_ref[c * jc : (c + 1) * jc, :] = sums / jnp.maximum(cnts, 1.0)
        svc = (cnts > 0.0).astype(jnp.float32)
        sv_ref[c * jc : (c + 1) * jc, :] = svc
        nsegs = nsegs + jnp.sum(svc)
    io8 = jax.lax.broadcasted_iota(jnp.int32, (1, 8), 1)
    ns_ref[...] = ns_ref[...] + jnp.where(io8 == 0, nsegs, 0.0)


def _stage_c(pooled_ref, cbt_ref, sv_ref, idx_ref, cc_ref):
    rb, d = pooled_ref.shape
    k = cbt_ref.shape[1]
    kc = 2048
    nkc = k // kc
    r = pl.program_id(0)

    @pl.when(r == 0)
    def _():
        cc_ref[...] = jnp.zeros_like(cc_ref)

    cbt = cbt_ref[...]
    c2 = jnp.sum(cbt * cbt, axis=0, keepdims=True)
    p = pooled_ref[...]
    sv = sv_ref[...]
    lio = jax.lax.broadcasted_iota(jnp.int32, (rb, kc), 1)
    cdn = (((1,), (0,)), ((), ()))
    needed = jnp.max(sv) > 0.0

    @pl.when(needed)
    def _():
        p2 = jnp.sum(p * p, axis=1, keepdims=True)
        best = jnp.full((rb, 1), jnp.inf, dtype=jnp.float32)
        bidx = jnp.zeros((rb, 1), dtype=jnp.int32)
        for c in range(nkc):
            pc = jax.lax.dot_general(p, cbt[:, c * kc : (c + 1) * kc], cdn,
                                     preferred_element_type=jnp.float32)
            d2 = p2 - 2.0 * pc + c2[:, c * kc : (c + 1) * kc]
            m = jnp.min(d2, axis=1, keepdims=True)
            li = jnp.min(jnp.where(d2 == m, lio + c * kc, k), axis=1,
                         keepdims=True)
            upd = m < best
            bidx = jnp.where(upd, li, bidx)
            best = jnp.where(upd, m, best)
        idx_ref[...] = bidx
        for c in range(nkc):
            oh = (bidx == lio + c * kc).astype(jnp.float32)
            cc_ref[0:1, c * kc : (c + 1) * kc] = cc_ref[0:1, c * kc : (c + 1) * kc] + \
                jax.lax.dot_general(sv, oh, (((0,), (0,)), ((), ())),
                                    preferred_element_type=jnp.float32)

    @pl.when(jnp.logical_not(needed))
    def _():
        kio = jax.lax.broadcasted_iota(jnp.int32, (1, k), 1)
        m0 = jnp.min(c2, axis=1, keepdims=True)
        li0 = jnp.min(jnp.where(c2 == m0, kio, k), axis=1, keepdims=True)
        idx_ref[...] = jnp.broadcast_to(li0, (rb, 1))


def _stage_e(quant_ref, pooled_ref, sv_ref, cc_ref, sc_ref, vq_ref, out_ref):
    bs, d = pooled_ref.shape
    q = quant_ref[...]
    p = pooled_ref[...]
    sv = sv_ref[...]
    loss = jnp.sum(jnp.square(q - p) * sv)
    vq_ref[...] = (p + (q - p)) * sv
    ns = jnp.maximum(sc_ref[0, 0], 1.0)
    vq_loss = 1.25 * loss / (ns * d)
    probs = cc_ref[...] / ns
    perp = jnp.exp(-jnp.sum(probs * jnp.log(probs + 1e-10)))
    io8 = jax.lax.broadcasted_iota(jnp.int32, (1, 8), 1)
    out_ref[...] = jnp.where(io8 == 0, vq_loss, jnp.where(io8 == 1, perp, 0.0))


def _sc_gather(codebook, idx_flat):
    info = plsc.get_sparse_core_info()
    nc, ns_ = info.num_cores, info.num_subcores
    nw = nc * ns_
    bs = idx_flat.shape[0]
    d = codebook.shape[1]
    bpw = bs // nw
    mesh = plsc.VectorSubcoreMesh(core_axis_name="c", subcore_axis_name="s")

    @functools.partial(
        pl.kernel, mesh=mesh,
        compiler_params=pltpu.CompilerParams(use_tc_tiling_on_sc=False),
        out_type=jax.ShapeDtypeStruct((bs, d), jnp.float32),
        scratch_types=[
            pltpu.VMEM((bpw,), jnp.int32),
            pltpu.VMEM((bpw, d), jnp.float32),
            pltpu.SemaphoreType.DMA,
        ],
    )
    def k(table_hbm, idx_hbm, out_hbm, idx_v, rows_v, sem):
        wid = jax.lax.axis_index("s") * nc + jax.lax.axis_index("c")
        base = wid * bpw
        pltpu.sync_copy(idx_hbm.at[pl.ds(base, bpw)], idx_v)
        ch = 64
        cops = []
        for j in range(bpw // ch):
            cops.append(pltpu.async_copy(
                table_hbm.at[idx_v.at[pl.ds(j * ch, ch)]],
                rows_v.at[pl.ds(j * ch, ch)], sem))
        for cop in cops:
            cop.wait()
        pltpu.sync_copy(rows_v, out_hbm.at[pl.ds(base, bpw)])

    return k(codebook, idx_flat)


def kernel(x, key_padding_mask, Wmu, bmu, Wlv, blv, codebook):
    b, s, d = x.shape
    k = codebook.shape[0]
    bs = b * s
    f32 = jnp.float32
    x2 = x.reshape(bs, d)
    vf = jnp.logical_not(key_padding_mask).astype(f32)
    vfc = vf.reshape(bs, 1)
    cbt = codebook.T

    bits_flat = pl.pallas_call(
        _stage_a,
        out_shape=jax.ShapeDtypeStruct((bs, 1), f32),
    )(x2, Wmu, bmu.reshape(1, d), Wlv, blv.reshape(1, d))

    bits_bs = bits_flat.reshape(b, s)
    pe_f, seg_id3, scal = pl.pallas_call(
        _stage_b1,
        out_shape=(
            jax.ShapeDtypeStruct((b, s), f32),
            jax.ShapeDtypeStruct((1, b, s), f32),
            jax.ShapeDtypeStruct((1, 8), f32),
        ),
    )(bits_bs, vf)

    seg_id3 = seg_id3.reshape(b, 1, s)
    pooled, sv, ns8 = pl.pallas_call(
        _stage_b2,
        grid=(b,),
        in_specs=[
            pl.BlockSpec((1, 1, s), lambda i: (i, 0, 0)),
            pl.BlockSpec((s, d), lambda i: (i, 0)),
            pl.BlockSpec((s, 1), lambda i: (i, 0)),
        ],
        out_specs=(
            pl.BlockSpec((s, d), lambda i: (i, 0)),
            pl.BlockSpec((s, 1), lambda i: (i, 0)),
            pl.BlockSpec((1, 8), lambda i: (0, 0)),
        ),
        out_shape=(
            jax.ShapeDtypeStruct((bs, d), f32),
            jax.ShapeDtypeStruct((bs, 1), f32),
            jax.ShapeDtypeStruct((1, 8), f32),
        ),
    )(seg_id3, x2, vfc)

    rb = 1024
    idx2, cc = pl.pallas_call(
        _stage_c,
        grid=(bs // rb,),
        in_specs=[
            pl.BlockSpec((rb, d), lambda i: (i, 0)),
            pl.BlockSpec((d, k), lambda i: (0, 0)),
            pl.BlockSpec((rb, 1), lambda i: (i, 0)),
        ],
        out_specs=(
            pl.BlockSpec((rb, 1), lambda i: (i, 0)),
            pl.BlockSpec((1, k), lambda i: (0, 0)),
        ),
        out_shape=(
            jax.ShapeDtypeStruct((bs, 1), jnp.int32),
            jax.ShapeDtypeStruct((1, k), f32),
        ),
    )(pooled, cbt, sv)

    idx = idx2.reshape(bs)
    quant = _sc_gather(codebook, idx)

    vq_emb, out2 = pl.pallas_call(
        _stage_e,
        out_shape=(
            jax.ShapeDtypeStruct((bs, d), f32),
            jax.ShapeDtypeStruct((1, 8), f32),
        ),
    )(quant, pooled, sv, cc, ns8)

    vq_loss = out2[0, 0]
    perplexity = out2[0, 1]
    entropy_loss = scal[0, 0]
    patch_end = pe_f > 0.5
    return vq_emb, idx, vq_loss, perplexity, bits_bs, entropy_loss, patch_end

# --- scband reference (transcript-rebuilt; emitter-appended) ---
"""Pipeline reference for scband-segment-compressor-13580686590437 (READ-ONLY COPY).

The authoritative reference and input builder live on the scoring server;
editing this copy changes nothing except your own understanding.
"""

import math
import jax, jax.numpy as jnp
import numpy as np

B, S, D, K = 8, 2048, 64, 8192

def setup_inputs(seed: int = 0):
    key = jax.random.key(seed)
    ks = jax.random.split(key, 8)
    x = jax.random.normal(ks[0], (B, S, D), dtype=jnp.float32)
    key_padding_mask = jnp.zeros((B, S), dtype=bool)
    Wmu = jax.random.normal(ks[1], (D, D), dtype=jnp.float32) / math.sqrt(D)
    bmu = jnp.zeros((D,), dtype=jnp.float32)
    Wlv = jax.random.normal(ks[2], (D, D), dtype=jnp.float32) / math.sqrt(D)
    blv = jnp.zeros((D,), dtype=jnp.float32)
    codebook = jax.random.normal(ks[3], (K, D), dtype=jnp.float32)
    return {'x': x, 'key_padding_mask': key_padding_mask, 'Wmu': Wmu, 'bmu': bmu, 'Wlv': Wlv, 'blv': blv, 'codebook': codebook}

def reference(x, key_padding_mask, Wmu, bmu, Wlv, blv, codebook):
    Bb, Ss, Dd = x.shape
    Kk = codebook.shape[0]
    # entropy model heads (Gaussian BPD, teacher-forced next-step)
    mu = x @ Wmu + bmu
    logvar = jnp.clip(x @ Wlv + blv, -8.0, 8.0)
    xt = x[:, 1:, :]
    m = mu[:, :-1, :]
    lv = logvar[:, :-1, :]
    scale = 0.5 / math.log(2.0)
    log_2pi = math.log(2.0 * math.pi)
    dx = xt - m
    bpd = (jnp.square(dx) * jnp.exp(-lv) + lv + log_2pi).mean(axis=-1) * scale
    bits = jnp.pad(bpd, ((0, 0), (1, 0)))
    valid = jnp.logical_not(key_padding_mask)
    vf = valid.astype(x.dtype)
    entropy_loss = (bits[:, 1:] * vf[:, 1:]).sum() / jnp.maximum(vf[:, 1:].sum(), 1.0)
    # entropy-threshold segmentation
    thr = (bits * vf).sum() / jnp.maximum(vf.sum(), 1.0)
    patch_end = jnp.logical_and(bits > thr, valid)
    patch_end = patch_end.at[:, -1].set(True)
    pe = patch_end.astype(jnp.int32)
    seg_id = jnp.cumsum(pe, axis=1) - pe
    flat_ids = (seg_id + jnp.arange(Bb, dtype=jnp.int32)[:, None] * Ss).reshape(-1)
    flat_x = (x * vf[:, :, None]).reshape(-1, Dd)
    sums = jax.ops.segment_sum(flat_x, flat_ids, num_segments=Bb * Ss)
    counts = jax.ops.segment_sum(vf.reshape(-1), flat_ids, num_segments=Bb * Ss)
    pooled = sums / jnp.maximum(counts, 1.0)[:, None]
    seg_valid = (counts > 0).astype(x.dtype)
    n_segs = jnp.maximum(seg_valid.sum(), 1.0)
    # VQ: nearest codebook entry, straight-through, codebook+commitment losses
    d2 = jnp.square(pooled).sum(-1, keepdims=True) - 2.0 * pooled @ codebook.T + jnp.square(codebook).sum(-1)[None, :]
    idx = jnp.argmin(d2, axis=-1)
    quant = jnp.take(codebook, idx, axis=0)
    maskc = seg_valid[:, None]
    codebook_loss = (jnp.square(quant - jax.lax.stop_gradient(pooled)) * maskc).sum() / (n_segs * Dd)
    commit_loss = (jnp.square(pooled - jax.lax.stop_gradient(quant)) * maskc).sum() / (n_segs * Dd)
    vq_loss = codebook_loss + 0.25 * commit_loss
    vq_emb = (pooled + jax.lax.stop_gradient(quant - pooled)) * maskc
    code_counts = jnp.zeros((Kk,), dtype=x.dtype).at[idx].add(seg_valid)
    probs = code_counts / n_segs
    perplexity = jnp.exp(-(probs * jnp.log(probs + 1e-10)).sum())
    return vq_emb, idx, vq_loss, perplexity, bits, entropy_loss, patch_end

if __name__ == "__main__":
    import jax
    _d = setup_inputs()
    print(jax.jit(kernel)(*tuple(_d.values())))

</pallas_src>

<mosaic_0001>
#map = affine_map<(d0, d1) -> (0, 0)>
#map1 = affine_map<(d0, d1) -> (0)>
module attributes {stable_mosaic.version = 14 : i64} {
  func.func @k(%arg0: i32, %arg1: i32, %arg2: memref<8192x64xf32, #tpu.memory_space<hbm>>, %arg3: memref<16384xi32, #tpu.memory_space<hbm>>, %arg4: memref<16384x64xf32, #tpu.memory_space<hbm>>, %arg5: memref<512xi32, #tpu.memory_space<vmem>>, %arg6: memref<512x64xf32, #tpu.memory_space<vmem>>, %arg7: memref<!tpu.dma_semaphore, #tpu.memory_space<semaphore_mem>>) attributes {dimension_semantics = [#tpu.dimension_semantics<core_parallel>, #tpu.dimension_semantics<subcore_parallel>], iteration_bounds = array<i64: 2, 16>, scalar_prefetch = 0 : i64, scratch_operands = 3 : i64, tpu.core_type = #tpu.core_type<sc_vector_subcore>, window_params = [{transform_indices = #map}, {transform_indices = #map1}, {transform_indices = #map}]} {
    %mul3A = arith.constant 2 : i32
    %mul3A_0 = arith.muli %arg1, %mul3A : i32
    %add3A = arith.addi %mul3A_0, %arg0 : i32
    %mul3A_1 = arith.constant 512 : i32
    %mul3A_2 = arith.muli %add3A, %mul3A_1 : i32
    "tpu.region"() ({
      %run_scoped3A = tpu.sem_alloc : memref<!tpu.dma_semaphore, #tpu.memory_space<semaphore_mem>>
      %dma_start3A_129 = tpu.memref_slice %arg3[%mul3A_2] : memref<16384xi32, #tpu.memory_space<hbm>> -> memref<512xi32, #tpu.memory_space<hbm>>
      %dma_start3A_130 = tpu.memref_slice %arg3[%mul3A_2] : memref<16384xi32, #tpu.memory_space<hbm>> -> memref<512xi32, #tpu.memory_space<hbm>>
      tpu.enqueue_dma source(%dma_start3A_130 : memref<512xi32, #tpu.memory_space<hbm>>) target(%arg5 : memref<512xi32, #tpu.memory_space<vmem>>) target_semaphore(%run_scoped3A : memref<!tpu.dma_semaphore, #tpu.memory_space<semaphore_mem>>)
      %dma_wait3A_131 = tpu.memref_slice %arg3[%mul3A_2] : memref<16384xi32, #tpu.memory_space<hbm>> -> memref<512xi32, #tpu.memory_space<hbm>>
      %dma_wait3A_132 = tpu.memref_slice %arg3[%mul3A_2] : memref<16384xi32, #tpu.memory_space<hbm>> -> memref<512xi32, #tpu.memory_space<hbm>>
      tpu.wait_dma2 semaphore(%run_scoped3A : memref<!tpu.dma_semaphore, #tpu.memory_space<semaphore_mem>>) src(%dma_wait3A_132 : memref<512xi32, #tpu.memory_space<hbm>>) dst(%arg5 : memref<512xi32, #tpu.memory_space<vmem>>)
      tpu.yield
    }) : () -> ()
    %dma_start3A = arith.constant 0 : i32
    %dma_start3A_3 = arith.constant 0 : i32
    %dma_start3A_4 = tpu.memref_slice %arg6[%dma_start3A, %dma_start3A_3] : memref<512x64xf32, #tpu.memory_space<vmem>> -> memref<64x64xf32, #tpu.memory_space<vmem>>
    %dma_start3A_5 = arith.constant 0 : i32
    %dma_start3A_6 = tpu.memref_slice %arg5[%dma_start3A_5] : memref<512xi32, #tpu.memory_space<vmem>> -> memref<64xi32, #tpu.memory_space<vmem>>
    %dma_start3A_7 = arith.constant 0 : i32
    %dma_start3A_8 = arith.constant 0 : i32
    %dma_start3A_9 = tpu.memref_slice %arg2[%dma_start3A_7, %dma_start3A_8] : memref<8192x64xf32, #tpu.memory_space<hbm>> -> memref<8192x64xf32, #tpu.memory_space<hbm>>
    tpu.enqueue_indirect_dma source(%dma_start3A_9 : memref<8192x64xf32, #tpu.memory_space<hbm>>) target(%dma_start3A_4 : memref<64x64xf32, #tpu.memory_space<vmem>>) offsets(%dma_start3A_6 : memref<64xi32, #tpu.memory_space<vmem>>) semaphore(%arg7 : memref<!tpu.dma_semaphore, #tpu.memory_space<semaphore_mem>>)
    %dma_start3A_10 = arith.constant 64 : i32
    %dma_start3A_11 = arith.constant 0 : i32
    %dma_start3A_12 = tpu.memref_slice %arg6[%dma_start3A_10, %dma_start3A_11] : memref<512x64xf32, #tpu.memory_space<vmem>> -> memref<64x64xf32, #tpu.memory_space<vmem>>
    %dma_start3A_13 = arith.constant 64 : i32
    %dma_start3A_14 = tpu.memref_slice %arg5[%dma_start3A_13] : memref<512xi32, #tpu.memory_space<vmem>> -> memref<64xi32, #tpu.memory_space<vmem>>
    %dma_start3A_15 = arith.constant 0 : i32
    %dma_start3A_16 = arith.constant 0 : i32
    %dma_start3A_17 = tpu.memref_slice %arg2[%dma_start3A_15, %dma_start3A_16] : memref<8192x64xf32, #tpu.memory_space<hbm>> -> memref<8192x64xf32, #tpu.memory_space<hbm>>
    tpu.enqueue_indirect_dma source(%dma_start3A_17 : memref<8192x64xf32, #tpu.memory_space<hbm>>) target(%dma_start3A_12 : memref<64x64xf32, #tpu.memory_space<vmem>>) offsets(%dma_start3A_14 : memref<64xi32, #tpu.memory_space<vmem>>) semaphore(%arg7 : memref<!tpu.dma_semaphore, #tpu.memory_space<semaphore_mem>>)
    %dma_start3A_18 = arith.constant 128 : i32
    %dma_start3A_19 = arith.constant 0 : i32
    %dma_start3A_20 = tpu.memref_slice %arg6[%dma_start3A_18, %dma_start3A_19] : memref<512x64xf32, #tpu.memory_space<vmem>> -> memref<64x64xf32, #tpu.memory_space<vmem>>
    %dma_start3A_21 = arith.constant 128 : i32
    %dma_start3A_22 = tpu.memref_slice %arg5[%dma_start3A_21] : memref<512xi32, #tpu.memory_space<vmem>> -> memref<64xi32, #tpu.memory_space<vmem>>
    %dma_start3A_23 = arith.constant 0 : i32
    %dma_start3A_24 = arith.constant 0 : i32
    %dma_start3A_25 = tpu.memref_slice %arg2[%dma_start3A_23, %dma_start3A_24] : memref<8192x64xf32, #tpu.memory_space<hbm>> -> memref<8192x64xf32, #tpu.memory_space<hbm>>
    tpu.enqueue_indirect_dma source(%dma_start3A_25 : memref<8192x64xf32, #tpu.memory_space<hbm>>) target(%dma_start3A_20 : memref<64x64xf32, #tpu.memory_space<vmem>>) offsets(%dma_start3A_22 : memref<64xi32, #tpu.memory_space<vmem>>) semaphore(%arg7 : memref<!tpu.dma_semaphore, #tpu.memory_space<semaphore_mem>>)
    %dma_start3A_26 = arith.constant 192 : i32
    %dma_start3A_27 = arith.constant 0 : i32
    %dma_start3A_28 = tpu.memref_slice %arg6[%dma_start3A_26, %dma_start3A_27] : memref<512x64xf32, #tpu.memory_space<vmem>> -> memref<64x64xf32, #tpu.memory_space<vmem>>
    %dma_start3A_29 = arith.constant 192 : i32
    %dma_start3A_30 = tpu.memref_slice %arg5[%dma_start3A_29] : memref<512xi32, #tpu.memory_space<vmem>> -> memref<64xi32, #tpu.memory_space<vmem>>
    %dma_start3A_31 = arith.constant 0 : i32
    %dma_start3A_32 = arith.constant 0 : i32
    %dma_start3A_33 = tpu.memref_slice %arg2[%dma_start3A_31, %dma_start3A_32] : memref<8192x64xf32, #tpu.memory_space<hbm>> -> memref<8192x64xf32, #tpu.memory_space<hbm>>
    tpu.enqueue_indirect_dma source(%dma_start3A_33 : memref<8192x64xf32, #tpu.memory_space<hbm>>) target(%dma_start3A_28 : memref<64x64xf32, #tpu.memory_space<vmem>>) offsets(%dma_start3A_30 : memref<64xi32, #tpu.memory_space<vmem>>) semaphore(%arg7 : memref<!tpu.dma_semaphore, #tpu.memory_space<semaphore_mem>>)
    %dma_start3A_34 = arith.constant 256 : i32
    %dma_start3A_35 = arith.constant 0 : i32
    %dma_start3A_36 = tpu.memref_slice %arg6[%dma_start3A_34, %dma_start3A_35] : memref<512x64xf32, #tpu.memory_space<vmem>> -> memref<64x64xf32, #tpu.memory_space<vmem>>
    %dma_start3A_37 = arith.constant 256 : i32
    %dma_start3A_38 = tpu.memref_slice %arg5[%dma_start3A_37] : memref<512xi32, #tpu.memory_space<vmem>> -> memref<64xi32, #tpu.memory_space<vmem>>
    %dma_start3A_39 = arith.constant 0 : i32
    %dma_start3A_40 = arith.constant 0 : i32
    %dma_start3A_41 = tpu.memref_slice %arg2[%dma_start3A_39, %dma_start3A_40] : memref<8192x64xf32, #tpu.memory_space<hbm>> -> memref<8192x64xf32, #tpu.memory_space<hbm>>
    tpu.enqueue_indirect_dma source(%dma_start3A_41 : memref<8192x64xf32, #tpu.memory_space<hbm>>) target(%dma_start3A_36 : memref<64x64xf32, #tpu.memory_space<vmem>>) offsets(%dma_start3A_38 : memref<64xi32, #tpu.memory_space<vmem>>) semaphore(%arg7 : memref<!tpu.dma_semaphore, #tpu.memory_space<semaphore_mem>>)
    %dma_start3A_42 = arith.constant 320 : i32
    %dma_start3A_43 = arith.constant 0 : i32
    %dma_start3A_44 = tpu.memref_slice %arg6[%dma_start3A_42, %dma_start3A_43] : memref<512x64xf32, #tpu.memory_space<vmem>> -> memref<64x64xf32, #tpu.memory_space<vmem>>
    %dma_start3A_45 = arith.constant 320 : i32
    %dma_start3A_46 = tpu.memref_slice %arg5[%dma_start3A_45] : memref<512xi32, #tpu.memory_space<vmem>> -> memref<64xi32, #tpu.memory_space<vmem>>
    %dma_start3A_47 = arith.constant 0 : i32
    %dma_start3A_48 = arith.constant 0 : i32
    %dma_start3A_49 = tpu.memref_slice %arg2[%dma_start3A_47, %dma_start3A_48] : memref<8192x64xf32, #tpu.memory_space<hbm>> -> memref<8192x64xf32, #tpu.memory_space<hbm>>
    tpu.enqueue_indirect_dma source(%dma_start3A_49 : memref<8192x64xf32, #tpu.memory_space<hbm>>) target(%dma_start3A_44 : memref<64x64xf32, #tpu.memory_space<vmem>>) offsets(%dma_start3A_46 : memref<64xi32, #tpu.memory_space<vmem>>) semaphore(%arg7 : memref<!tpu.dma_semaphore, #tpu.memory_space<semaphore_mem>>)
    %dma_start3A_50 = arith.constant 384 : i32
    %dma_start3A_51 = arith.constant 0 : i32
    %dma_start3A_52 = tpu.memref_slice %arg6[%dma_start3A_50, %dma_start3A_51] : memref<512x64xf32, #tpu.memory_space<vmem>> -> memref<64x64xf32, #tpu.memory_space<vmem>>
    %dma_start3A_53 = arith.constant 384 : i32
    %dma_start3A_54 = tpu.memref_slice %arg5[%dma_start3A_53] : memref<512xi32, #tpu.memory_space<vmem>> -> memref<64xi32, #tpu.memory_space<vmem>>
    %dma_start3A_55 = arith.constant 0 : i32
    %dma_start3A_56 = arith.constant 0 : i32
    %dma_start3A_57 = tpu.memref_slice %arg2[%dma_start3A_55, %dma_start3A_56] : memref<8192x64xf32, #tpu.memory_space<hbm>> -> memref<8192x64xf32, #tpu.memory_space<hbm>>
    tpu.enqueue_indirect_dma source(%dma_start3A_57 : memref<8192x64xf32, #tpu.memory_space<hbm>>) target(%dma_start3A_52 : memref<64x64xf32, #tpu.memory_space<vmem>>) offsets(%dma_start3A_54 : memref<64xi32, #tpu.memory_space<vmem>>) semaphore(%arg7 : memref<!tpu.dma_semaphore, #tpu.memory_space<semaphore_mem>>)
    %dma_start3A_58 = arith.constant 448 : i32
    %dma_start3A_59 = arith.constant 0 : i32
    %dma_start3A_60 = tpu.memref_slice %arg6[%dma_start3A_58, %dma_start3A_59] : memref<512x64xf32, #tpu.memory_space<vmem>> -> memref<64x64xf32, #tpu.memory_space<vmem>>
    %dma_start3A_61 = arith.constant 448 : i32
    %dma_start3A_62 = tpu.memref_slice %arg5[%dma_start3A_61] : memref<512xi32, #tpu.memory_space<vmem>> -> memref<64xi32, #tpu.memory_space<vmem>>
    %dma_start3A_63 = arith.constant 0 : i32
    %dma_start3A_64 = arith.constant 0 : i32
    %dma_start3A_65 = tpu.memref_slice %arg2[%dma_start3A_63, %dma_start3A_64] : memref<8192x64xf32, #tpu.memory_space<hbm>> -> memref<8192x64xf32, #tpu.memory_space<hbm>>
    tpu.enqueue_indirect_dma source(%dma_start3A_65 : memref<8192x64xf32, #tpu.memory_space<hbm>>) target(%dma_start3A_60 : memref<64x64xf32, #tpu.memory_space<vmem>>) offsets(%dma_start3A_62 : memref<64xi32, #tpu.memory_space<vmem>>) semaphore(%arg7 : memref<!tpu.dma_semaphore, #tpu.memory_space<semaphore_mem>>)
    %dma_wait3A = arith.constant 0 : i32
    %dma_wait3A_66 = arith.constant 0 : i32
    %dma_wait3A_67 = tpu.memref_slice %arg6[%dma_wait3A, %dma_wait3A_66] : memref<512x64xf32, #tpu.memory_space<vmem>> -> memref<64x64xf32, #tpu.memory_space<vmem>>
    %dma_wait3A_68 = arith.constant 0 : i32
    %dma_wait3A_69 = tpu.memref_slice %arg5[%dma_wait3A_68] : memref<512xi32, #tpu.memory_space<vmem>> -> memref<64xi32, #tpu.memory_space<vmem>>
    %dma_wait3A_70 = arith.constant 0 : i32
    %dma_wait3A_71 = arith.constant 0 : i32
    %dma_wait3A_72 = tpu.memref_slice %arg2[%dma_wait3A_70, %dma_wait3A_71] : memref<8192x64xf32, #tpu.memory_space<hbm>> -> memref<8192x64xf32, #tpu.memory_space<hbm>>
    tpu.wait_indirect_dma semaphore(%arg7 : memref<!tpu.dma_semaphore, #tpu.memory_space<semaphore_mem>>) src(%dma_wait3A_72 : memref<8192x64xf32, #tpu.memory_space<hbm>>) dst(%dma_wait3A_67 : memref<64x64xf32, #tpu.memory_space<vmem>>)
    %dma_wait3A_73 = arith.constant 64 : i32
    %dma_wait3A_74 = arith.constant 0 : i32
    %dma_wait3A_75 = tpu.memref_slice %arg6[%dma_wait3A_73, %dma_wait3A_74] : memref<512x64xf32, #tpu.memory_space<vmem>> -> memref<64x64xf32, #tpu.memory_space<vmem>>
    %dma_wait3A_76 = arith.constant 64 : i32
    %dma_wait3A_77 = tpu.memref_slice %arg5[%dma_wait3A_76] : memref<512xi32, #tpu.memory_space<vmem>> -> memref<64xi32, #tpu.memory_space<vmem>>
    %dma_wait3A_78 = arith.constant 0 : i32
    %dma_wait3A_79 = arith.constant 0 : i32
    %dma_wait3A_80 = tpu.memref_slice %arg2[%dma_wait3A_78, %dma_wait3A_79] : memref<8192x64xf32, #tpu.memory_space<hbm>> -> memref<8192x64xf32, #tpu.memory_space<hbm>>
    tpu.wait_indirect_dma semaphore(%arg7 : memref<!tpu.dma_semaphore, #tpu.memory_space<semaphore_mem>>) src(%dma_wait3A_80 : memref<8192x64xf32, #tpu.memory_space<hbm>>) dst(%dma_wait3A_75 : memref<64x64xf32, #tpu.memory_space<vmem>>)
    %dma_wait3A_81 = arith.constant 128 : i32
    %dma_wait3A_82 = arith.constant 0 : i32
    %dma_wait3A_83 = tpu.memref_slice %arg6[%dma_wait3A_81, %dma_wait3A_82] : memref<512x64xf32, #tpu.memory_space<vmem>> -> memref<64x64xf32, #tpu.memory_space<vmem>>
    %dma_wait3A_84 = arith.constant 128 : i32
    %dma_wait3A_85 = tpu.memref_slice %arg5[%dma_wait3A_84] : memref<512xi32, #tpu.memory_space<vmem>> -> memref<64xi32, #tpu.memory_space<vmem>>
    %dma_wait3A_86 = arith.constant 0 : i32
    %dma_wait3A_87 = arith.constant 0 : i32
    %dma_wait3A_88 = tpu.memref_slice %arg2[%dma_wait3A_86, %dma_wait3A_87] : memref<8192x64xf32, #tpu.memory_space<hbm>> -> memref<8192x64xf32, #tpu.memory_space<hbm>>
    tpu.wait_indirect_dma semaphore(%arg7 : memref<!tpu.dma_semaphore, #tpu.memory_space<semaphore_mem>>) src(%dma_wait3A_88 : memref<8192x64xf32, #tpu.memory_space<hbm>>) dst(%dma_wait3A_83 : memref<64x64xf32, #tpu.memory_space<vmem>>)
    %dma_wait3A_89 = arith.constant 192 : i32
    %dma_wait3A_90 = arith.constant 0 : i32
    %dma_wait3A_91 = tpu.memref_slice %arg6[%dma_wait3A_89, %dma_wait3A_90] : memref<512x64xf32, #tpu.memory_space<vmem>> -> memref<64x64xf32, #tpu.memory_space<vmem>>
    %dma_wait3A_92 = arith.constant 192 : i32
    %dma_wait3A_93 = tpu.memref_slice %arg5[%dma_wait3A_92] : memref<512xi32, #tpu.memory_space<vmem>> -> memref<64xi32, #tpu.memory_space<vmem>>
    %dma_wait3A_94 = arith.constant 0 : i32
    %dma_wait3A_95 = arith.constant 0 : i32
    %dma_wait3A_96 = tpu.memref_slice %arg2[%dma_wait3A_94, %dma_wait3A_95] : memref<8192x64xf32, #tpu.memory_space<hbm>> -> memref<8192x64xf32, #tpu.memory_space<hbm>>
    tpu.wait_indirect_dma semaphore(%arg7 : memref<!tpu.dma_semaphore, #tpu.memory_space<semaphore_mem>>) src(%dma_wait3A_96 : memref<8192x64xf32, #tpu.memory_space<hbm>>) dst(%dma_wait3A_91 : memref<64x64xf32, #tpu.memory_space<vmem>>)
    %dma_wait3A_97 = arith.constant 256 : i32
    %dma_wait3A_98 = arith.constant 0 : i32
    %dma_wait3A_99 = tpu.memref_slice %arg6[%dma_wait3A_97, %dma_wait3A_98] : memref<512x64xf32, #tpu.memory_space<vmem>> -> memref<64x64xf32, #tpu.memory_space<vmem>>
    %dma_wait3A_100 = arith.constant 256 : i32
    %dma_wait3A_101 = tpu.memref_slice %arg5[%dma_wait3A_100] : memref<512xi32, #tpu.memory_space<vmem>> -> memref<64xi32, #tpu.memory_space<vmem>>
    %dma_wait3A_102 = arith.constant 0 : i32
    %dma_wait3A_103 = arith.constant 0 : i32
    %dma_wait3A_104 = tpu.memref_slice %arg2[%dma_wait3A_102, %dma_wait3A_103] : memref<8192x64xf32, #tpu.memory_space<hbm>> -> memref<8192x64xf32, #tpu.memory_space<hbm>>
    tpu.wait_indirect_dma semaphore(%arg7 : memref<!tpu.dma_semaphore, #tpu.memory_space<semaphore_mem>>) src(%dma_wait3A_104 : memref<8192x64xf32, #tpu.memory_space<hbm>>) dst(%dma_wait3A_99 : memref<64x64xf32, #tpu.memory_space<vmem>>)
    %dma_wait3A_105 = arith.constant 320 : i32
    %dma_wait3A_106 = arith.constant 0 : i32
    %dma_wait3A_107 = tpu.memref_slice %arg6[%dma_wait3A_105, %dma_wait3A_106] : memref<512x64xf32, #tpu.memory_space<vmem>> -> memref<64x64xf32, #tpu.memory_space<vmem>>
    %dma_wait3A_108 = arith.constant 320 : i32
    %dma_wait3A_109 = tpu.memref_slice %arg5[%dma_wait3A_108] : memref<512xi32, #tpu.memory_space<vmem>> -> memref<64xi32, #tpu.memory_space<vmem>>
    %dma_wait3A_110 = arith.constant 0 : i32
    %dma_wait3A_111 = arith.constant 0 : i32
    %dma_wait3A_112 = tpu.memref_slice %arg2[%dma_wait3A_110, %dma_wait3A_111] : memref<8192x64xf32, #tpu.memory_space<hbm>> -> memref<8192x64xf32, #tpu.memory_space<hbm>>
    tpu.wait_indirect_dma semaphore(%arg7 : memref<!tpu.dma_semaphore, #tpu.memory_space<semaphore_mem>>) src(%dma_wait3A_112 : memref<8192x64xf32, #tpu.memory_space<hbm>>) dst(%dma_wait3A_107 : memref<64x64xf32, #tpu.memory_space<vmem>>)
    %dma_wait3A_113 = arith.constant 384 : i32
    %dma_wait3A_114 = arith.constant 0 : i32
    %dma_wait3A_115 = tpu.memref_slice %arg6[%dma_wait3A_113, %dma_wait3A_114] : memref<512x64xf32, #tpu.memory_space<vmem>> -> memref<64x64xf32, #tpu.memory_space<vmem>>
    %dma_wait3A_116 = arith.constant 384 : i32
    %dma_wait3A_117 = tpu.memref_slice %arg5[%dma_wait3A_116] : memref<512xi32, #tpu.memory_space<vmem>> -> memref<64xi32, #tpu.memory_space<vmem>>
    %dma_wait3A_118 = arith.constant 0 : i32
    %dma_wait3A_119 = arith.constant 0 : i32
    %dma_wait3A_120 = tpu.memref_slice %arg2[%dma_wait3A_118, %dma_wait3A_119] : memref<8192x64xf32, #tpu.memory_space<hbm>> -> memref<8192x64xf32, #tpu.memory_space<hbm>>
    tpu.wait_indirect_dma semaphore(%arg7 : memref<!tpu.dma_semaphore, #tpu.memory_space<semaphore_mem>>) src(%dma_wait3A_120 : memref<8192x64xf32, #tpu.memory_space<hbm>>) dst(%dma_wait3A_115 : memref<64x64xf32, #tpu.memory_space<vmem>>)
    %dma_wait3A_121 = arith.constant 448 : i32
    %dma_wait3A_122 = arith.constant 0 : i32
    %dma_wait3A_123 = tpu.memref_slice %arg6[%dma_wait3A_121, %dma_wait3A_122] : memref<512x64xf32, #tpu.memory_space<vmem>> -> memref<64x64xf32, #tpu.memory_space<vmem>>
    %dma_wait3A_124 = arith.constant 448 : i32
    %dma_wait3A_125 = tpu.memref_slice %arg5[%dma_wait3A_124] : memref<512xi32, #tpu.memory_space<vmem>> -> memref<64xi32, #tpu.memory_space<vmem>>
    %dma_wait3A_126 = arith.constant 0 : i32
    %dma_wait3A_127 = arith.constant 0 : i32
    %dma_wait3A_128 = tpu.memref_slice %arg2[%dma_wait3A_126, %dma_wait3A_127] : memref<8192x64xf32, #tpu.memory_space<hbm>> -> memref<8192x64xf32, #tpu.memory_space<hbm>>
    tpu.wait_indirect_dma semaphore(%arg7 : memref<!tpu.dma_semaphore, #tpu.memory_space<semaphore_mem>>) src(%dma_wait3A_128 : memref<8192x64xf32, #tpu.memory_space<hbm>>) dst(%dma_wait3A_123 : memref<64x64xf32, #tpu.memory_space<vmem>>)
    "tpu.region"() ({
      %run_scoped3A = tpu.sem_alloc : memref<!tpu.dma_semaphore, #tpu.memory_space<semaphore_mem>>
      %dma_start3A_129 = arith.constant 0 : i32
      %dma_start3A_130 = tpu.memref_slice %arg4[%mul3A_2, %dma_start3A_129] : memref<16384x64xf32, #tpu.memory_space<hbm>> -> memref<512x64xf32, #tpu.memory_space<hbm>>
      %dma_start3A_131 = arith.constant 0 : i32
      %dma_start3A_132 = tpu.memref_slice %arg4[%mul3A_2, %dma_start3A_131] : memref<16384x64xf32, #tpu.memory_space<hbm>> -> memref<512x64xf32, #tpu.memory_space<hbm>>
      tpu.enqueue_dma source(%arg6 : memref<512x64xf32, #tpu.memory_space<vmem>>) target(%dma_start3A_132 : memref<512x64xf32, #tpu.memory_space<hbm>>) target_semaphore(%run_scoped3A : memref<!tpu.dma_semaphore, #tpu.memory_space<semaphore_mem>>)
      %dma_wait3A_133 = arith.constant 0 : i32
      %dma_wait3A_134 = tpu.memref_slice %arg4[%mul3A_2, %dma_wait3A_133] : memref<16384x64xf32, #tpu.memory_space<hbm>> -> memref<512x64xf32, #tpu.memory_space<hbm>>
      %dma_wait3A_135 = arith.constant 0 : i32
      %dma_wait3A_136 = tpu.memref_slice %arg4[%mul3A_2, %dma_wait3A_135] : memref<16384x64xf32, #tpu.memory_space<hbm>> -> memref<512x64xf32, #tpu.memory_space<hbm>>
      tpu.wait_dma2 semaphore(%run_scoped3A : memref<!tpu.dma_semaphore, #tpu.memory_space<semaphore_mem>>) src(%arg6 : memref<512x64xf32, #tpu.memory_space<vmem>>) dst(%dma_wait3A_136 : memref<512x64xf32, #tpu.memory_space<hbm>>)
      tpu.yield
    }) : () -> ()
    return
  }
}

module attributes {stable_mosaic.version = 14 : i64} {
  func.func @_stage_a(%arg0: memref<16384x64xf32, #tpu.memory_space<vmem>>, %arg1: memref<64x64xf32, #tpu.memory_space<vmem>>, %arg2: memref<1x64xf32, #tpu.memory_space<vmem>>, %arg3: memref<64x64xf32, #tpu.memory_space<vmem>>, %arg4: memref<1x64xf32, #tpu.memory_space<vmem>>, %arg5: memref<16384x1xf32, #tpu.memory_space<vmem>>) attributes {dimension_semantics = [], scalar_prefetch = 0 : i64, scratch_operands = 0 : i64, tpu.core_type = #tpu.core_type<tc>} {
    %get3A = arith.constant 0 : index
    %get3A_0 = arith.constant 0 : index
    %get3A_1 = vector.load %arg0[%get3A, %get3A_0] : memref<16384x64xf32, #tpu.memory_space<vmem>>, vector<16384x64xf32>
    %get3A_2 = arith.constant 0 : index
    %get3A_3 = arith.constant 0 : index
    %get3A_4 = vector.load %arg1[%get3A_2, %get3A_3] : memref<64x64xf32, #tpu.memory_space<vmem>>, vector<64x64xf32>
    %dot_general3A = arith.constant dense<0.000000e+00> : vector<16384x64xf32>
    %dot_general3A_5 = tpu.matmul %get3A_1, %get3A_4, %dot_general3A {dimension_numbers = #tpu.dot_dimension_numbers<[1], [0], [0], [1], [0, 0, 1, 1], [], []>, transpose_lhs_hint = false} : vector<16384x64xf32>, vector<64x64xf32>, vector<16384x64xf32> -> vector<16384x64xf32>
    %get3A_6 = arith.constant 0 : index
    %get3A_7 = arith.constant 0 : index
    %get3A_8 = vector.load %arg2[%get3A_6, %get3A_7] : memref<1x64xf32, #tpu.memory_space<vmem>>, vector<1x64xf32>
    %add3A = vector.broadcast %get3A_8 : vector<1x64xf32> to vector<16384x64xf32>
    %add3A_9 = arith.addf %dot_general3A_5, %add3A : vector<16384x64xf32>
    %get3A_10 = arith.constant 0 : index
    %get3A_11 = arith.constant 0 : index
    %get3A_12 = vector.load %arg3[%get3A_10, %get3A_11] : memref<64x64xf32, #tpu.memory_space<vmem>>, vector<64x64xf32>
    %dot_general3A_13 = arith.constant dense<0.000000e+00> : vector<16384x64xf32>
    %dot_general3A_14 = tpu.matmul %get3A_1, %get3A_12, %dot_general3A_13 {dimension_numbers = #tpu.dot_dimension_numbers<[1], [0], [0], [1], [0, 0, 1, 1], [], []>, transpose_lhs_hint = false} : vector<16384x64xf32>, vector<64x64xf32>, vector<16384x64xf32> -> vector<16384x64xf32>
    %get3A_15 = arith.constant 0 : index
    %get3A_16 = arith.constant 0 : index
    %get3A_17 = vector.load %arg4[%get3A_15, %get3A_16] : memref<1x64xf32, #tpu.memory_space<vmem>>, vector<1x64xf32>
    %add3A_18 = vector.broadcast %get3A_17 : vector<1x64xf32> to vector<16384x64xf32>
    %add3A_19 = arith.addf %dot_general3A_14, %add3A_18 : vector<16384x64xf32>
    %jit3A = arith.constant -8.000000e+00 : f32
    %jit3A_20 = arith.constant 8.000000e+00 : f32
    %max3A = vector.broadcast %jit3A : f32 to vector<16384x64xf32>
    %max3A_21 = arith.maximumf %max3A, %add3A_19 : vector<16384x64xf32>
    %min3A = vector.broadcast %jit3A_20 : f32 to vector<16384x64xf32>
    %min3A_22 = arith.minimumf %min3A, %max3A_21 : vector<16384x64xf32>
    %broadcast_in_dim3A = arith.constant 0.000000e+00 : f32
    %broadcast_in_dim3A_23 = vector.broadcast %broadcast_in_dim3A : f32 to vector<1x64xf32>
    %slice3A = vector.extract_strided_slice %add3A_9 {offsets = [0, 0], sizes = [16383, 64], strides = [1, 1]} : vector<16384x64xf32> to vector<16383x64xf32>
    %concatenate3A = tpu.concatenate %broadcast_in_dim3A_23, %slice3A in 0 : vector<1x64xf32>, vector<16383x64xf32> -> vector<16384x64xf32>
    %slice3A_24 = vector.extract_strided_slice %min3A_22 {offsets = [0, 0], sizes = [16383, 64], strides = [1, 1]} : vector<16384x64xf32> to vector<16383x64xf32>
    %concatenate3A_25 = tpu.concatenate %broadcast_in_dim3A_23, %slice3A_24 in 0 : vector<1x64xf32>, vector<16383x64xf32> -> vector<16384x64xf32>
    %sub3A = arith.subf %get3A_1, %concatenate3A : vector<16384x64xf32>
    %square3A = arith.mulf %sub3A, %sub3A : vector<16384x64xf32>
    %neg3A = arith.constant 0.000000e+00 : f32
    %neg3A_26 = vector.broadcast %neg3A : f32 to vector<16384x64xf32>
    %neg3A_27 = arith.subf %neg3A_26, %concatenate3A_25 : vector<16384x64xf32>
    %exp3A = math.exp %neg3A_27 : vector<16384x64xf32>
    %mul3A = arith.mulf %square3A, %exp3A : vector<16384x64xf32>
    %add3A_28 = arith.addf %mul3A, %concatenate3A_25 : vector<16384x64xf32>
    %add3A_29 = arith.constant 1.83787704 : f32
    %add3A_30 = vector.broadcast %add3A_29 : f32 to vector<16384x64xf32>
    %add3A_31 = arith.addf %add3A_28, %add3A_30 : vector<16384x64xf32>
    %reduce_sum3A = arith.constant dense<0.000000e+00> : vector<16384xf32>
    %reduce_sum3A_32 = vector.multi_reduction <add>, %add3A_31, %reduce_sum3A [1] : vector<16384x64xf32> to vector<16384xf32>
    %broadcast_in_dim3A_33 = vector.shape_cast %reduce_sum3A_32 : vector<16384xf32> to vector<16384x1xf32>
    %div3A = arith.constant 6.400000e+01 : f32
    %div3A_34 = vector.broadcast %div3A : f32 to vector<16384x1xf32>
    %div3A_35 = arith.divf %broadcast_in_dim3A_33, %div3A_34 : vector<16384x1xf32>
    %mul3A_36 = arith.constant 0.72134751 : f32
    %mul3A_37 = vector.broadcast %mul3A_36 : f32 to vector<16384x1xf32>
    %mul3A_38 = arith.mulf %div3A_35, %mul3A_37 : vector<16384x1xf32>
    %iota3A = tpu.iota {dimensions = array<i32: 0>} : vector<16384x1xi32>
    %jit3A_39 = arith.constant 2048 : i32
    %eq3A = arith.constant 0 : i32
    %eq3A_40 = arith.cmpi eq, %jit3A_39, %eq3A : i32
    %jit3A_41 = arith.constant 1 : i32
    %select_n3A = arith.select %eq3A_40, %jit3A_41, %jit3A_39 : i32
    %rem3A = vector.broadcast %select_n3A : i32 to vector<16384x1xi32>
    %rem3A_42 = arith.remsi %iota3A, %rem3A : vector<16384x1xi32>
    %ne3A = arith.constant 0 : i32
    %ne3A_43 = vector.broadcast %ne3A : i32 to vector<16384x1xi32>
    %ne3A_44 = arith.cmpi ne, %rem3A_42, %ne3A_43 : vector<16384x1xi32>
    %lt3A = arith.constant 0 : i32
    %lt3A_45 = vector.broadcast %lt3A : i32 to vector<16384x1xi32>
    %lt3A_46 = arith.cmpi slt, %rem3A_42, %lt3A_45 : vector<16384x1xi32>
    %lt3A_47 = arith.constant 0 : i32
    %lt3A_48 = arith.cmpi slt, %select_n3A, %lt3A_47 : i32
    %ne3A_49 = vector.broadcast %lt3A_48 : i1 to vector<16384x1xi1>
    %ne3A_50 = vector.broadcast %ne3A_49 : vector<16384x1xi1> to vector<16384x1xi1>
    %ne3A_51 = arith.xori %lt3A_46, %ne3A_50 : vector<16384x1xi1>
    %and3A = arith.andi %ne3A_51, %ne3A_44 : vector<16384x1xi1>
    %add3A_52 = vector.broadcast %select_n3A : i32 to vector<16384x1xi32>
    %add3A_53 = arith.addi %rem3A_42, %add3A_52 : vector<16384x1xi32>
    %select_n3A_54 = arith.select %and3A, %add3A_53, %rem3A_42 : vector<16384x1xi1>, vector<16384x1xi32>
    %eq3A_55 = arith.constant 0 : i32
    %eq3A_56 = vector.broadcast %eq3A_55 : i32 to vector<16384x1xi32>
    %eq3A_57 = arith.cmpi eq, %select_n3A_54, %eq3A_56 : vector<16384x1xi32>
    %jit3A_58 = arith.constant 0.000000e+00 : f32
    %broadcast_in_dim3A_59 = vector.broadcast %jit3A_58 : f32 to vector<16384x1xf32>
    %select_n3A_60 = arith.select %eq3A_57, %broadcast_in_dim3A_59, %mul3A_38 : vector<16384x1xi1>, vector<16384x1xf32>
    %swap3A = arith.constant 0 : index
    %swap3A_61 = arith.constant 0 : index
    %swap3A_62 = vector.load %arg5[%swap3A, %swap3A_61] : memref<16384x1xf32, #tpu.memory_space<vmem>>, vector<16384x1xf32>
    tpu.vector_store %arg5[%swap3A, %swap3A_61], %select_n3A_60 {strides = array<i32>} : memref<16384x1xf32, #tpu.memory_space<vmem>>, vector<16384x1xf32>,
    return
  }
}

module attributes {stable_mosaic.version = 14 : i64} {
  func.func @_stage_b1(%arg0: memref<8x2048xf32, #tpu.memory_space<vmem>>, %arg1: memref<8x2048xf32, #tpu.memory_space<vmem>>, %arg2: memref<8x2048xf32, #tpu.memory_space<vmem>>, %arg3: memref<1x8x2048xf32, #tpu.memory_space<vmem>>, %arg4: memref<1x8xf32, #tpu.memory_space<vmem>>) attributes {dimension_semantics = [], scalar_prefetch = 0 : i64, scratch_operands = 0 : i64, tpu.core_type = #tpu.core_type<tc>} {
    %get3A = arith.constant 0 : index
    %get3A_0 = arith.constant 0 : index
    %get3A_1 = vector.load %arg0[%get3A, %get3A_0] : memref<8x2048xf32, #tpu.memory_space<vmem>>, vector<8x2048xf32>
    %get3A_2 = arith.constant 0 : index
    %get3A_3 = arith.constant 0 : index
    %get3A_4 = vector.load %arg1[%get3A_2, %get3A_3] : memref<8x2048xf32, #tpu.memory_space<vmem>>, vector<8x2048xf32>
    %mul3A = arith.mulf %get3A_1, %get3A_4 : vector<8x2048xf32>
    %reduce_sum3A = vector.shape_cast %mul3A : vector<8x2048xf32> to vector<1x8x2048xf32>
    %reduce_sum3A_5 = arith.constant dense<0.000000e+00> : vector<1xf32>
    %reduce_sum3A_6 = vector.multi_reduction <add>, %reduce_sum3A, %reduce_sum3A_5 [1, 2] : vector<1x8x2048xf32> to vector<1xf32>
    %reduce_sum3A_7 = vector.shape_cast %reduce_sum3A_6 : vector<1xf32> to vector<1x1x1xf32>
    %reduce_sum3A_8 = vector.extract %reduce_sum3A_7[0, 0, 0] : f32 from vector<1x1x1xf32>
    %reduce_sum3A_9 = vector.shape_cast %get3A_4 : vector<8x2048xf32> to vector<1x8x2048xf32>
    %reduce_sum3A_10 = arith.constant dense<0.000000e+00> : vector<1xf32>
    %reduce_sum3A_11 = vector.multi_reduction <add>, %reduce_sum3A_9, %reduce_sum3A_10 [1, 2] : vector<1x8x2048xf32> to vector<1xf32>
    %reduce_sum3A_12 = vector.shape_cast %reduce_sum3A_11 : vector<1xf32> to vector<1x1x1xf32>
    %reduce_sum3A_13 = vector.extract %reduce_sum3A_12[0, 0, 0] : f32 from vector<1x1x1xf32>
    %slice3A = vector.extract_strided_slice %get3A_4 {offsets = [0, 0], sizes = [8, 1], strides = [1, 1]} : vector<8x2048xf32> to vector<8x1xf32>
    %reduce_sum3A_14 = vector.shape_cast %slice3A : vector<8x1xf32> to vector<1x8x1xf32>
    %reduce_sum3A_15 = arith.constant dense<0.000000e+00> : vector<1xf32>
    %reduce_sum3A_16 = vector.multi_reduction <add>, %reduce_sum3A_14, %reduce_sum3A_15 [1, 2] : vector<1x8x1xf32> to vector<1xf32>
    %reduce_sum3A_17 = vector.shape_cast %reduce_sum3A_16 : vector<1xf32> to vector<1x1x1xf32>
    %reduce_sum3A_18 = vector.extract %reduce_sum3A_17[0, 0, 0] : f32 from vector<1x1x1xf32>
    %max3A = arith.constant 1.000000e+00 : f32
    %max3A_19 = arith.maximumf %reduce_sum3A_13, %max3A : f32
    %div3A = arith.divf %reduce_sum3A_8, %max3A_19 : f32
    %sub3A = arith.subf %reduce_sum3A_13, %reduce_sum3A_18 : f32
    %max3A_20 = arith.constant 1.000000e+00 : f32
    %max3A_21 = arith.maximumf %sub3A, %max3A_20 : f32
    %div3A_22 = arith.divf %reduce_sum3A_8, %max3A_21 : f32
    %iota3A = tpu.iota {dimensions = array<i32: 1>} : vector<8x2048xi32>
    %gt3A = vector.broadcast %div3A : f32 to vector<8x2048xf32>
    %gt3A_23 = arith.cmpf ogt, %get3A_1, %gt3A : vector<8x2048xf32>
    %gt3A_24 = arith.constant 0.000000e+00 : f32
    %gt3A_25 = vector.broadcast %gt3A_24 : f32 to vector<8x2048xf32>
    %gt3A_26 = arith.cmpf ogt, %get3A_4, %gt3A_25 : vector<8x2048xf32>
    %and3A = arith.andi %gt3A_23, %gt3A_26 : vector<8x2048xi1>
    %eq3A = arith.constant 2047 : i32
    %eq3A_27 = vector.broadcast %eq3A : i32 to vector<8x2048xi32>
    %eq3A_28 = arith.cmpi eq, %iota3A, %eq3A_27 : vector<8x2048xi32>
    %jit3A = arith.constant 1.000000e+00 : f32
    %jit3A_29 = arith.constant 0.000000e+00 : f32
    %broadcast_in_dim3A = vector.broadcast %jit3A : f32 to vector<8x2048xf32>
    %broadcast_in_dim3A_30 = vector.broadcast %jit3A_29 : f32 to vector<8x2048xf32>
    %select_n3A = arith.select %and3A, %broadcast_in_dim3A, %broadcast_in_dim3A_30 : vector<8x2048xi1>, vector<8x2048xf32>
    %jit3A_31 = arith.constant 1.000000e+00 : f32
    %broadcast_in_dim3A_32 = vector.broadcast %jit3A_31 : f32 to vector<8x2048xf32>
    %select_n3A_33 = arith.select %eq3A_28, %broadcast_in_dim3A_32, %select_n3A : vector<8x2048xi1>, vector<8x2048xf32>
    %swap3A = arith.constant 0 : index
    %swap3A_34 = arith.constant 0 : index
    %swap3A_35 = vector.load %arg2[%swap3A, %swap3A_34] : memref<8x2048xf32, #tpu.memory_space<vmem>>, vector<8x2048xf32>
    tpu.vector_store %arg2[%swap3A, %swap3A_34], %select_n3A_33 {strides = array<i32>} : memref<8x2048xf32, #tpu.memory_space<vmem>>, vector<8x2048xf32>,
    %iota3A_36 = tpu.iota {dimensions = array<i32: 0>} : vector<2048x512xi32>
    %iota3A_37 = tpu.iota {dimensions = array<i32: 1>} : vector<2048x512xi32>
    %add3A = arith.constant 0 : i32
    %add3A_38 = vector.broadcast %add3A : i32 to vector<2048x512xi32>
    %add3A_39 = arith.addi %iota3A_37, %add3A_38 : vector<2048x512xi32>
    %le3A = arith.cmpi sle, %iota3A_36, %add3A_39 : vector<2048x512xi32>
    %convert_element_type3A = arith.extui %le3A : vector<2048x512xi1> to vector<2048x512xi32>
    %convert_element_type3A_40 = arith.sitofp %convert_element_type3A : vector<2048x512xi32> to vector<2048x512xf32>
    %dot_general3A = arith.constant dense<0.000000e+00> : vector<8x512xf32>
    %dot_general3A_41 = tpu.matmul %select_n3A_33, %convert_element_type3A_40, %dot_general3A {dimension_numbers = #tpu.dot_dimension_numbers<[1], [0], [0], [1], [0, 0, 1, 1], [], []>, transpose_lhs_hint = false} : vector<8x2048xf32>, vector<2048x512xf32>, vector<8x512xf32> -> vector<8x512xf32>
    %add3A_42 = arith.constant 512 : i32
    %add3A_43 = vector.broadcast %add3A_42 : i32 to vector<2048x512xi32>
    %add3A_44 = arith.addi %iota3A_37, %add3A_43 : vector<2048x512xi32>
    %le3A_45 = arith.cmpi sle, %iota3A_36, %add3A_44 : vector<2048x512xi32>
    %convert_element_type3A_46 = arith.extui %le3A_45 : vector<2048x512xi1> to vector<2048x512xi32>
    %convert_element_type3A_47 = arith.sitofp %convert_element_type3A_46 : vector<2048x512xi32> to vector<2048x512xf32>
    %dot_general3A_48 = arith.constant dense<0.000000e+00> : vector<8x512xf32>
    %dot_general3A_49 = tpu.matmul %select_n3A_33, %convert_element_type3A_47, %dot_general3A_48 {dimension_numbers = #tpu.dot_dimension_numbers<[1], [0], [0], [1], [0, 0, 1, 1], [], []>, transpose_lhs_hint = false} : vector<8x2048xf32>, vector<2048x512xf32>, vector<8x512xf32> -> vector<8x512xf32>
    %add3A_50 = arith.constant 1024 : i32
    %add3A_51 = vector.broadcast %add3A_50 : i32 to vector<2048x512xi32>
    %add3A_52 = arith.addi %iota3A_37, %add3A_51 : vector<2048x512xi32>
    %le3A_53 = arith.cmpi sle, %iota3A_36, %add3A_52 : vector<2048x512xi32>
    %convert_element_type3A_54 = arith.extui %le3A_53 : vector<2048x512xi1> to vector<2048x512xi32>
    %convert_element_type3A_55 = arith.sitofp %convert_element_type3A_54 : vector<2048x512xi32> to vector<2048x512xf32>
    %dot_general3A_56 = arith.constant dense<0.000000e+00> : vector<8x512xf32>
    %dot_general3A_57 = tpu.matmul %select_n3A_33, %convert_element_type3A_55, %dot_general3A_56 {dimension_numbers = #tpu.dot_dimension_numbers<[1], [0], [0], [1], [0, 0, 1, 1], [], []>, transpose_lhs_hint = false} : vector<8x2048xf32>, vector<2048x512xf32>, vector<8x512xf32> -> vector<8x512xf32>
    %add3A_58 = arith.constant 1536 : i32
    %add3A_59 = vector.broadcast %add3A_58 : i32 to vector<2048x512xi32>
    %add3A_60 = arith.addi %iota3A_37, %add3A_59 : vector<2048x512xi32>
    %le3A_61 = arith.cmpi sle, %iota3A_36, %add3A_60 : vector<2048x512xi32>
    %convert_element_type3A_62 = arith.extui %le3A_61 : vector<2048x512xi1> to vector<2048x512xi32>
    %convert_element_type3A_63 = arith.sitofp %convert_element_type3A_62 : vector<2048x512xi32> to vector<2048x512xf32>
    %dot_general3A_64 = arith.constant dense<0.000000e+00> : vector<8x512xf32>
    %dot_general3A_65 = tpu.matmul %select_n3A_33, %convert_element_type3A_63, %dot_general3A_64 {dimension_numbers = #tpu.dot_dimension_numbers<[1], [0], [0], [1], [0, 0, 1, 1], [], []>, transpose_lhs_hint = false} : vector<8x2048xf32>, vector<2048x512xf32>, vector<8x512xf32> -> vector<8x512xf32>
    %concatenate3A = tpu.concatenate %dot_general3A_41, %dot_general3A_49, %dot_general3A_57, %dot_general3A_65 in 1 : vector<8x512xf32>, vector<8x512xf32>, vector<8x512xf32>, vector<8x512xf32> -> vector<8x2048xf32>
    %sub3A_66 = arith.subf %concatenate3A, %select_n3A_33 : vector<8x2048xf32>
    %swap3A_67 = arith.constant 0 : index
    %swap3A_68 = arith.constant 0 : index
    %swap3A_69 = arith.constant 0 : index
    %swap3A_70 = vector.load %arg3[%swap3A_67, %swap3A_68, %swap3A_69] : memref<1x8x2048xf32, #tpu.memory_space<vmem>>, vector<1x8x2048xf32>
    %swap3A_71 = vector.shape_cast %swap3A_70 : vector<1x8x2048xf32> to vector<8x2048xf32>
    %swap3A_72 = vector.shape_cast %sub3A_66 : vector<8x2048xf32> to vector<1x8x2048xf32>
    tpu.vector_store %arg3[%swap3A_67, %swap3A_68, %swap3A_69], %swap3A_72 {strides = array<i32>} : memref<1x8x2048xf32, #tpu.memory_space<vmem>>, vector<1x8x2048xf32>,
    %iota3A_73 = tpu.iota {dimensions = array<i32: 1>} : vector<1x8xi32>
    %eq3A_74 = arith.constant 0 : i32
    %eq3A_75 = vector.broadcast %eq3A_74 : i32 to vector<1x8xi32>
    %eq3A_76 = arith.cmpi eq, %iota3A_73, %eq3A_75 : vector<1x8xi32>
    %eq3A_77 = arith.constant 1 : i32
    %eq3A_78 = vector.broadcast %eq3A_77 : i32 to vector<1x8xi32>
    %eq3A_79 = arith.cmpi eq, %iota3A_73, %eq3A_78 : vector<1x8xi32>
    %jit3A_80 = arith.constant 0.000000e+00 : f32
    %broadcast_in_dim3A_81 = vector.broadcast %div3A : f32 to vector<1x8xf32>
    %broadcast_in_dim3A_82 = vector.broadcast %jit3A_80 : f32 to vector<1x8xf32>
    %select_n3A_83 = arith.select %eq3A_79, %broadcast_in_dim3A_81, %broadcast_in_dim3A_82 : vector<1x8xi1>, vector<1x8xf32>
    %broadcast_in_dim3A_84 = vector.broadcast %div3A_22 : f32 to vector<1x8xf32>
    %select_n3A_85 = arith.select %eq3A_76, %broadcast_in_dim3A_84, %select_n3A_83 : vector<1x8xi1>, vector<1x8xf32>
    %swap3A_86 = arith.constant 0 : index
    %swap3A_87 = arith.constant 0 : index
    %swap3A_88 = vector.load %arg4[%swap3A_86, %swap3A_87] : memref<1x8xf32, #tpu.memory_space<vmem>>, vector<1x8xf32>
    tpu.vector_store %arg4[%swap3A_86, %swap3A_87], %select_n3A_85 {strides = array<i32>} : memref<1x8xf32, #tpu.memory_space<vmem>>, vector<1x8xf32>,
    return
  }
}

module attributes {stable_mosaic.version = 14 : i64} {
  func.func @_stage_b2(%arg0: i32, %arg1: memref<1x1x2048xf32, #tpu.memory_space<vmem>>, %arg2: memref<2048x64xf32, #tpu.memory_space<vmem>>, %arg3: memref<2048x1xf32, #tpu.memory_space<vmem>>, %arg4: memref<2048x64xf32, #tpu.memory_space<vmem>>, %arg5: memref<2048x1xf32, #tpu.memory_space<vmem>>, %arg6: memref<1x8xf32, #tpu.memory_space<vmem>>) attributes {dimension_semantics = [#tpu.dimension_semantics<arbitrary>], iteration_bounds = array<i64: 8>, scalar_prefetch = 0 : i64, scratch_operands = 0 : i64, tpu.core_type = #tpu.core_type<tc>, window_params = [{transform_indices = @transform_0, window_bounds = array<i64: 1, 1, 2048>}, {transform_indices = @transform_1, window_bounds = array<i64: 2048, 64>}, {transform_indices = @transform_2, window_bounds = array<i64: 2048, 1>}, {transform_indices = @transform_3, window_bounds = array<i64: 2048, 64>}, {transform_indices = @transform_4, window_bounds = array<i64: 2048, 1>}, {pipeline_mode = #tpu.pipeline_mode<synchronous>, transform_indices = @transform_5, window_bounds = array<i64: 1, 8>}]} {
    %eq3A = arith.constant 0 : i32
    %eq3A_0 = arith.cmpi eq, %arg0, %eq3A : i32
    %convert_element_type3A = arith.extui %eq3A_0 : i1 to i32
    %cond3A = arith.constant 0 : i32
    %cond3A_1 = arith.cmpi ne, %convert_element_type3A, %cond3A : i32
    scf.if %cond3A_1 {
      %broadcast_in_dim3A_156 = arith.constant 0.000000e+00 : f32
      %broadcast_in_dim3A_157 = vector.broadcast %broadcast_in_dim3A_156 : f32 to vector<1x8xf32>
      %swap3A_158 = arith.constant 0 : index
      %swap3A_159 = arith.constant 0 : index
      %swap3A_160 = vector.load %arg6[%swap3A_158, %swap3A_159] : memref<1x8xf32, #tpu.memory_space<vmem>>, vector<1x8xf32>
      tpu.vector_store %arg6[%swap3A_158, %swap3A_159], %broadcast_in_dim3A_157 {strides = array<i32>} : memref<1x8xf32, #tpu.memory_space<vmem>>, vector<1x8xf32>,
    } else {
    }
    %get3A = arith.constant 0 : index
    %get3A_2 = arith.constant 0 : index
    %get3A_3 = arith.constant 0 : index
    %get3A_4 = vector.load %arg1[%get3A, %get3A_2, %get3A_3] : memref<1x1x2048xf32, #tpu.memory_space<vmem>>, vector<1x1x2048xf32>
    %get3A_5 = vector.shape_cast %get3A_4 : vector<1x1x2048xf32> to vector<1x2048xf32>
    %get3A_6 = arith.constant 0 : index
    %get3A_7 = arith.constant 0 : index
    %get3A_8 = vector.load %arg3[%get3A_6, %get3A_7] : memref<2048x1xf32, #tpu.memory_space<vmem>>, vector<2048x1xf32>
    %get3A_9 = arith.constant 0 : index
    %get3A_10 = arith.constant 0 : index
    %get3A_11 = vector.load %arg2[%get3A_9, %get3A_10] : memref<2048x64xf32, #tpu.memory_space<vmem>>, vector<2048x64xf32>
    %mul3A = vector.broadcast %get3A_8 : vector<2048x1xf32> to vector<2048x64xf32>
    %mul3A_12 = arith.mulf %get3A_11, %mul3A : vector<2048x64xf32>
    %iota3A = tpu.iota {dimensions = array<i32: 0>} : vector<512x1xi32>
    %convert_element_type3A_13 = arith.sitofp %iota3A : vector<512x1xi32> to vector<512x1xf32>
    %add3A = arith.constant 0.000000e+00 : f32
    %add3A_14 = vector.broadcast %add3A : f32 to vector<512x1xf32>
    %add3A_15 = arith.addf %convert_element_type3A_13, %add3A_14 : vector<512x1xf32>
    %eq3A_16 = vector.broadcast %get3A_5 : vector<1x2048xf32> to vector<512x2048xf32>
    %eq3A_17 = vector.broadcast %add3A_15 : vector<512x1xf32> to vector<512x2048xf32>
    %eq3A_18 = arith.cmpf oeq, %eq3A_16, %eq3A_17 : vector<512x2048xf32>
    %convert_element_type3A_19 = arith.extui %eq3A_18 : vector<512x2048xi1> to vector<512x2048xi32>
    %convert_element_type3A_20 = arith.sitofp %convert_element_type3A_19 : vector<512x2048xi32> to vector<512x2048xf32>
    %dot_general3A = arith.constant dense<0.000000e+00> : vector<512x64xf32>
    %dot_general3A_21 = tpu.matmul %convert_element_type3A_20, %mul3A_12, %dot_general3A {dimension_numbers = #tpu.dot_dimension_numbers<[1], [0], [0], [1], [0, 0, 1, 1], [], []>, precision = #tpu.contract_precision<fp32>, transpose_lhs_hint = false} : vector<512x2048xf32>, vector<2048x64xf32>, vector<512x64xf32> -> vector<512x64xf32>
    %dot_general3A_22 = arith.constant dense<0.000000e+00> : vector<512x1xf32>
    %dot_general3A_23 = tpu.matmul %convert_element_type3A_20, %get3A_8, %dot_general3A_22 {dimension_numbers = #tpu.dot_dimension_numbers<[1], [0], [0], [1], [0, 0, 1, 1], [], []>, precision = #tpu.contract_precision<fp32>, transpose_lhs_hint = false} : vector<512x2048xf32>, vector<2048x1xf32>, vector<512x1xf32> -> vector<512x1xf32>
    %max3A = arith.constant 1.000000e+00 : f32
    %max3A_24 = vector.broadcast %max3A : f32 to vector<512x1xf32>
    %max3A_25 = arith.maximumf %dot_general3A_23, %max3A_24 : vector<512x1xf32>
    %div3A = vector.broadcast %max3A_25 : vector<512x1xf32> to vector<512x64xf32>
    %div3A_26 = arith.divf %dot_general3A_21, %div3A : vector<512x64xf32>
    %swap3A = arith.constant 0 : index
    %swap3A_27 = arith.constant 0 : index
    %swap3A_28 = vector.load %arg4[%swap3A, %swap3A_27] : memref<2048x64xf32, #tpu.memory_space<vmem>>, vector<512x64xf32>
    tpu.vector_store %arg4[%swap3A, %swap3A_27], %div3A_26 {strides = array<i32>} : memref<2048x64xf32, #tpu.memory_space<vmem>>, vector<512x64xf32>,
    %gt3A = arith.constant 0.000000e+00 : f32
    %gt3A_29 = vector.broadcast %gt3A : f32 to vector<512x1xf32>
    %gt3A_30 = arith.cmpf ogt, %dot_general3A_23, %gt3A_29 : vector<512x1xf32>
    %convert_element_type3A_31 = arith.extui %gt3A_30 : vector<512x1xi1> to vector<512x1xi32>
    %convert_element_type3A_32 = arith.sitofp %convert_element_type3A_31 : vector<512x1xi32> to vector<512x1xf32>
    %swap3A_33 = arith.constant 0 : index
    %swap3A_34 = arith.constant 0 : index
    %swap3A_35 = vector.load %arg5[%swap3A_33, %swap3A_34] : memref<2048x1xf32, #tpu.memory_space<vmem>>, vector<512x1xf32>
    tpu.vector_store %arg5[%swap3A_33, %swap3A_34], %convert_element_type3A_32 {strides = array<i32>} : memref<2048x1xf32, #tpu.memory_space<vmem>>, vector<512x1xf32>,
    %reduce_sum3A = vector.shape_cast %convert_element_type3A_32 : vector<512x1xf32> to vector<1x512x1xf32>
    %reduce_sum3A_36 = arith.constant dense<0.000000e+00> : vector<1xf32>
    %reduce_sum3A_37 = vector.multi_reduction <add>, %reduce_sum3A, %reduce_sum3A_36 [1, 2] : vector<1x512x1xf32> to vector<1xf32>
    %reduce_sum3A_38 = vector.shape_cast %reduce_sum3A_37 : vector<1xf32> to vector<1x1x1xf32>
    %reduce_sum3A_39 = vector.extract %reduce_sum3A_38[0, 0, 0] : f32 from vector<1x1x1xf32>
    %add3A_40 = arith.constant 0.000000e+00 : f32
    %add3A_41 = arith.addf %add3A_40, %reduce_sum3A_39 : f32
    %add3A_42 = arith.constant 5.120000e+02 : f32
    %add3A_43 = vector.broadcast %add3A_42 : f32 to vector<512x1xf32>
    %add3A_44 = arith.addf %convert_element_type3A_13, %add3A_43 : vector<512x1xf32>
    %eq3A_45 = vector.broadcast %get3A_5 : vector<1x2048xf32> to vector<512x2048xf32>
    %eq3A_46 = vector.broadcast %add3A_44 : vector<512x1xf32> to vector<512x2048xf32>
    %eq3A_47 = arith.cmpf oeq, %eq3A_45, %eq3A_46 : vector<512x2048xf32>
    %convert_element_type3A_48 = arith.extui %eq3A_47 : vector<512x2048xi1> to vector<512x2048xi32>
    %convert_element_type3A_49 = arith.sitofp %convert_element_type3A_48 : vector<512x2048xi32> to vector<512x2048xf32>
    %dot_general3A_50 = arith.constant dense<0.000000e+00> : vector<512x64xf32>
    %dot_general3A_51 = tpu.matmul %convert_element_type3A_49, %mul3A_12, %dot_general3A_50 {dimension_numbers = #tpu.dot_dimension_numbers<[1], [0], [0], [1], [0, 0, 1, 1], [], []>, precision = #tpu.contract_precision<fp32>, transpose_lhs_hint = false} : vector<512x2048xf32>, vector<2048x64xf32>, vector<512x64xf32> -> vector<512x64xf32>
    %dot_general3A_52 = arith.constant dense<0.000000e+00> : vector<512x1xf32>
    %dot_general3A_53 = tpu.matmul %convert_element_type3A_49, %get3A_8, %dot_general3A_52 {dimension_numbers = #tpu.dot_dimension_numbers<[1], [0], [0], [1], [0, 0, 1, 1], [], []>, precision = #tpu.contract_precision<fp32>, transpose_lhs_hint = false} : vector<512x2048xf32>, vector<2048x1xf32>, vector<512x1xf32> -> vector<512x1xf32>
    %max3A_54 = arith.constant 1.000000e+00 : f32
    %max3A_55 = vector.broadcast %max3A_54 : f32 to vector<512x1xf32>
    %max3A_56 = arith.maximumf %dot_general3A_53, %max3A_55 : vector<512x1xf32>
    %div3A_57 = vector.broadcast %max3A_56 : vector<512x1xf32> to vector<512x64xf32>
    %div3A_58 = arith.divf %dot_general3A_51, %div3A_57 : vector<512x64xf32>
    %swap3A_59 = arith.constant 512 : index
    %swap3A_60 = arith.constant 0 : index
    %swap3A_61 = vector.load %arg4[%swap3A_59, %swap3A_60] : memref<2048x64xf32, #tpu.memory_space<vmem>>, vector<512x64xf32>
    tpu.vector_store %arg4[%swap3A_59, %swap3A_60], %div3A_58 {strides = array<i32>} : memref<2048x64xf32, #tpu.memory_space<vmem>>, vector<512x64xf32>,
    %gt3A_62 = arith.constant 0.000000e+00 : f32
    %gt3A_63 = vector.broadcast %gt3A_62 : f32 to vector<512x1xf32>
    %gt3A_64 = arith.cmpf ogt, %dot_general3A_53, %gt3A_63 : vector<512x1xf32>
    %convert_element_type3A_65 = arith.extui %gt3A_64 : vector<512x1xi1> to vector<512x1xi32>
    %convert_element_type3A_66 = arith.sitofp %convert_element_type3A_65 : vector<512x1xi32> to vector<512x1xf32>
    %swap3A_67 = arith.constant 512 : index
    %swap3A_68 = arith.constant 0 : index
    %swap3A_69 = vector.load %arg5[%swap3A_67, %swap3A_68] : memref<2048x1xf32, #tpu.memory_space<vmem>>, vector<512x1xf32>
    tpu.vector_store %arg5[%swap3A_67, %swap3A_68], %convert_element_type3A_66 {strides = array<i32>} : memref<2048x1xf32, #tpu.memory_space<vmem>>, vector<512x1xf32>,
    %reduce_sum3A_70 = vector.shape_cast %convert_element_type3A_66 : vector<512x1xf32> to vector<1x512x1xf32>
    %reduce_sum3A_71 = arith.constant dense<0.000000e+00> : vector<1xf32>
    %reduce_sum3A_72 = vector.multi_reduction <add>, %reduce_sum3A_70, %reduce_sum3A_71 [1, 2] : vector<1x512x1xf32> to vector<1xf32>
    %reduce_sum3A_73 = vector.shape_cast %reduce_sum3A_72 : vector<1xf32> to vector<1x1x1xf32>
    %reduce_sum3A_74 = vector.extract %reduce_sum3A_73[0, 0, 0] : f32 from vector<1x1x1xf32>
    %add3A_75 = arith.addf %add3A_41, %reduce_sum3A_74 : f32
    %add3A_76 = arith.constant 1.024000e+03 : f32
    %add3A_77 = vector.broadcast %add3A_76 : f32 to vector<512x1xf32>
    %add3A_78 = arith.addf %convert_element_type3A_13, %add3A_77 : vector<512x1xf32>
    %eq3A_79 = vector.broadcast %get3A_5 : vector<1x2048xf32> to vector<512x2048xf32>
    %eq3A_80 = vector.broadcast %add3A_78 : vector<512x1xf32> to vector<512x2048xf32>
    %eq3A_81 = arith.cmpf oeq, %eq3A_79, %eq3A_80 : vector<512x2048xf32>
    %convert_element_type3A_82 = arith.extui %eq3A_81 : vector<512x2048xi1> to vector<512x2048xi32>
    %convert_element_type3A_83 = arith.sitofp %convert_element_type3A_82 : vector<512x2048xi32> to vector<512x2048xf32>
    %dot_general3A_84 = arith.constant dense<0.000000e+00> : vector<512x64xf32>
    %dot_general3A_85 = tpu.matmul %convert_element_type3A_83, %mul3A_12, %dot_general3A_84 {dimension_numbers = #tpu.dot_dimension_numbers<[1], [0], [0], [1], [0, 0, 1, 1], [], []>, precision = #tpu.contract_precision<fp32>, transpose_lhs_hint = false} : vector<512x2048xf32>, vector<2048x64xf32>, vector<512x64xf32> -> vector<512x64xf32>
    %dot_general3A_86 = arith.constant dense<0.000000e+00> : vector<512x1xf32>
    %dot_general3A_87 = tpu.matmul %convert_element_type3A_83, %get3A_8, %dot_general3A_86 {dimension_numbers = #tpu.dot_dimension_numbers<[1], [0], [0], [1], [0, 0, 1, 1], [], []>, precision = #tpu.contract_precision<fp32>, transpose_lhs_hint = false} : vector<512x2048xf32>, vector<2048x1xf32>, vector<512x1xf32> -> vector<512x1xf32>
    %max3A_88 = arith.constant 1.000000e+00 : f32
    %max3A_89 = vector.broadcast %max3A_88 : f32 to vector<512x1xf32>
    %max3A_90 = arith.maximumf %dot_general3A_87, %max3A_89 : vector<512x1xf32>
    %div3A_91 = vector.broadcast %max3A_90 : vector<512x1xf32> to vector<512x64xf32>
    %div3A_92 = arith.divf %dot_general3A_85, %div3A_91 : vector<512x64xf32>
    %swap3A_93 = arith.constant 1024 : index
    %swap3A_94 = arith.constant 0 : index
    %swap3A_95 = vector.load %arg4[%swap3A_93, %swap3A_94] : memref<2048x64xf32, #tpu.memory_space<vmem>>, vector<512x64xf32>
    tpu.vector_store %arg4[%swap3A_93, %swap3A_94], %div3A_92 {strides = array<i32>} : memref<2048x64xf32, #tpu.memory_space<vmem>>, vector<512x64xf32>,
    %gt3A_96 = arith.constant 0.000000e+00 : f32
    %gt3A_97 = vector.broadcast %gt3A_96 : f32 to vector<512x1xf32>
    %gt3A_98 = arith.cmpf ogt, %dot_general3A_87, %gt3A_97 : vector<512x1xf32>
    %convert_element_type3A_99 = arith.extui %gt3A_98 : vector<512x1xi1> to vector<512x1xi32>
    %convert_element_type3A_100 = arith.sitofp %convert_element_type3A_99 : vector<512x1xi32> to vector<512x1xf32>
    %swap3A_101 = arith.constant 1024 : index
    %swap3A_102 = arith.constant 0 : index
    %swap3A_103 = vector.load %arg5[%swap3A_101, %swap3A_102] : memref<2048x1xf32, #tpu.memory_space<vmem>>, vector<512x1xf32>
    tpu.vector_store %arg5[%swap3A_101, %swap3A_102], %convert_element_type3A_100 {strides = array<i32>} : memref<2048x1xf32, #tpu.memory_space<vmem>>, vector<512x1xf32>,
    %reduce_sum3A_104 = vector.shape_cast %convert_element_type3A_100 : vector<512x1xf32> to vector<1x512x1xf32>
    %reduce_sum3A_105 = arith.constant dense<0.000000e+00> : vector<1xf32>
    %reduce_sum3A_106 = vector.multi_reduction <add>, %reduce_sum3A_104, %reduce_sum3A_105 [1, 2] : vector<1x512x1xf32> to vector<1xf32>
    %reduce_sum3A_107 = vector.shape_cast %reduce_sum3A_106 : vector<1xf32> to vector<1x1x1xf32>
    %reduce_sum3A_108 = vector.extract %reduce_sum3A_107[0, 0, 0] : f32 from vector<1x1x1xf32>
    %add3A_109 = arith.addf %add3A_75, %reduce_sum3A_108 : f32
    %add3A_110 = arith.constant 1.536000e+03 : f32
    %add3A_111 = vector.broadcast %add3A_110 : f32 to vector<512x1xf32>
    %add3A_112 = arith.addf %convert_element_type3A_13, %add3A_111 : vector<512x1xf32>
    %eq3A_113 = vector.broadcast %get3A_5 : vector<1x2048xf32> to vector<512x2048xf32>
    %eq3A_114 = vector.broadcast %add3A_112 : vector<512x1xf32> to vector<512x2048xf32>
    %eq3A_115 = arith.cmpf oeq, %eq3A_113, %eq3A_114 : vector<512x2048xf32>
    %convert_element_type3A_116 = arith.extui %eq3A_115 : vector<512x2048xi1> to vector<512x2048xi32>
    %convert_element_type3A_117 = arith.sitofp %convert_element_type3A_116 : vector<512x2048xi32> to vector<512x2048xf32>
    %dot_general3A_118 = arith.constant dense<0.000000e+00> : vector<512x64xf32>
    %dot_general3A_119 = tpu.matmul %convert_element_type3A_117, %mul3A_12, %dot_general3A_118 {dimension_numbers = #tpu.dot_dimension_numbers<[1], [0], [0], [1], [0, 0, 1, 1], [], []>, precision = #tpu.contract_precision<fp32>, transpose_lhs_hint = false} : vector<512x2048xf32>, vector<2048x64xf32>, vector<512x64xf32> -> vector<512x64xf32>
    %dot_general3A_120 = arith.constant dense<0.000000e+00> : vector<512x1xf32>
    %dot_general3A_121 = tpu.matmul %convert_element_type3A_117, %get3A_8, %dot_general3A_120 {dimension_numbers = #tpu.dot_dimension_numbers<[1], [0], [0], [1], [0, 0, 1, 1], [], []>, precision = #tpu.contract_precision<fp32>, transpose_lhs_hint = false} : vector<512x2048xf32>, vector<2048x1xf32>, vector<512x1xf32> -> vector<512x1xf32>
    %max3A_122 = arith.constant 1.000000e+00 : f32
    %max3A_123 = vector.broadcast %max3A_122 : f32 to vector<512x1xf32>
    %max3A_124 = arith.maximumf %dot_general3A_121, %max3A_123 : vector<512x1xf32>
    %div3A_125 = vector.broadcast %max3A_124 : vector<512x1xf32> to vector<512x64xf32>
    %div3A_126 = arith.divf %dot_general3A_119, %div3A_125 : vector<512x64xf32>
    %swap3A_127 = arith.constant 1536 : index
    %swap3A_128 = arith.constant 0 : index
    %swap3A_129 = vector.load %arg4[%swap3A_127, %swap3A_128] : memref<2048x64xf32, #tpu.memory_space<vmem>>, vector<512x64xf32>
    tpu.vector_store %arg4[%swap3A_127, %swap3A_128], %div3A_126 {strides = array<i32>} : memref<2048x64xf32, #tpu.memory_space<vmem>>, vector<512x64xf32>,
    %gt3A_130 = arith.constant 0.000000e+00 : f32
    %gt3A_131 = vector.broadcast %gt3A_130 : f32 to vector<512x1xf32>
    %gt3A_132 = arith.cmpf ogt, %dot_general3A_121, %gt3A_131 : vector<512x1xf32>
    %convert_element_type3A_133 = arith.extui %gt3A_132 : vector<512x1xi1> to vector<512x1xi32>
    %convert_element_type3A_134 = arith.sitofp %convert_element_type3A_133 : vector<512x1xi32> to vector<512x1xf32>
    %swap3A_135 = arith.constant 1536 : index
    %swap3A_136 = arith.constant 0 : index
    %swap3A_137 = vector.load %arg5[%swap3A_135, %swap3A_136] : memref<2048x1xf32, #tpu.memory_space<vmem>>, vector<512x1xf32>
    tpu.vector_store %arg5[%swap3A_135, %swap3A_136], %convert_element_type3A_134 {strides = array<i32>} : memref<2048x1xf32, #tpu.memory_space<vmem>>, vector<512x1xf32>,
    %reduce_sum3A_138 = vector.shape_cast %convert_element_type3A_134 : vector<512x1xf32> to vector<1x512x1xf32>
    %reduce_sum3A_139 = arith.constant dense<0.000000e+00> : vector<1xf32>
    %reduce_sum3A_140 = vector.multi_reduction <add>, %reduce_sum3A_138, %reduce_sum3A_139 [1, 2] : vector<1x512x1xf32> to vector<1xf32>
    %reduce_sum3A_141 = vector.shape_cast %reduce_sum3A_140 : vector<1xf32> to vector<1x1x1xf32>
    %reduce_sum3A_142 = vector.extract %reduce_sum3A_141[0, 0, 0] : f32 from vector<1x1x1xf32>
    %add3A_143 = arith.addf %add3A_109, %reduce_sum3A_142 : f32
    %iota3A_144 = tpu.iota {dimensions = array<i32: 1>} : vector<1x8xi32>
    %get3A_145 = arith.constant 0 : index
    %get3A_146 = arith.constant 0 : index
    %get3A_147 = vector.load %arg6[%get3A_145, %get3A_146] : memref<1x8xf32, #tpu.memory_space<vmem>>, vector<1x8xf32>
    %eq3A_148 = arith.constant 0 : i32
    %eq3A_149 = vector.broadcast %eq3A_148 : i32 to vector<1x8xi32>
    %eq3A_150 = arith.cmpi eq, %iota3A_144, %eq3A_149 : vector<1x8xi32>
    %jit3A = arith.constant 0.000000e+00 : f32
    %broadcast_in_dim3A = vector.broadcast %add3A_143 : f32 to vector<1x8xf32>
    %broadcast_in_dim3A_151 = vector.broadcast %jit3A : f32 to vector<1x8xf32>
    %select_n3A = arith.select %eq3A_150, %broadcast_in_dim3A, %broadcast_in_dim3A_151 : vector<1x8xi1>, vector<1x8xf32>
    %add3A_152 = arith.addf %get3A_147, %select_n3A : vector<1x8xf32>
    %swap3A_153 = arith.constant 0 : index
    %swap3A_154 = arith.constant 0 : index
    %swap3A_155 = vector.load %arg6[%swap3A_153, %swap3A_154] : memref<1x8xf32, #tpu.memory_space<vmem>>, vector<1x8xf32>
    tpu.vector_store %arg6[%swap3A_153, %swap3A_154], %add3A_152 {strides = array<i32>} : memref<1x8xf32, #tpu.memory_space<vmem>>, vector<1x8xf32>,
    return
  }
  func.func @transform_0(%arg0: i32) -> (i32, i32, i32) {
    %c0_i32 = arith.constant 0 : i32
    %c0_i32_0 = arith.constant 0 : i32
    %c0_i32_1 = arith.constant 0 : i32
    return %arg0, %c0_i32, %c0_i32_0 : i32, i32, i32
  }
  func.func @transform_1(%arg0: i32) -> (i32, i32) {
    %c0_i32 = arith.constant 0 : i32
    %c0_i32_0 = arith.constant 0 : i32
    return %arg0, %c0_i32 : i32, i32
  }
  func.func @transform_2(%arg0: i32) -> (i32, i32) {
    %c0_i32 = arith.constant 0 : i32
    %c0_i32_0 = arith.constant 0 : i32
    return %arg0, %c0_i32 : i32, i32
  }
  func.func @transform_3(%arg0: i32) -> (i32, i32) {
    %c0_i32 = arith.constant 0 : i32
    %c0_i32_0 = arith.constant 0 : i32
    return %arg0, %c0_i32 : i32, i32
  }
  func.func @transform_4(%arg0: i32) -> (i32, i32) {
    %c0_i32 = arith.constant 0 : i32
    %c0_i32_0 = arith.constant 0 : i32
    return %arg0, %c0_i32 : i32, i32
  }
  func.func @transform_5(%arg0: i32) -> (i32, i32) {
    %c0_i32 = arith.constant 0 : i32
    %c0_i32_0 = arith.constant 0 : i32
    %c0_i32_1 = arith.constant 0 : i32
    return %c0_i32, %c0_i32_0 : i32, i32
  }
}

module attributes {stable_mosaic.version = 14 : i64} {
  func.func @_stage_c(%arg0: i32, %arg1: memref<1024x64xf32, #tpu.memory_space<vmem>>, %arg2: memref<64x8192xf32, #tpu.memory_space<vmem>>, %arg3: memref<1024x1xf32, #tpu.memory_space<vmem>>, %arg4: memref<1024x1xi32, #tpu.memory_space<vmem>>, %arg5: memref<1x8192xf32, #tpu.memory_space<vmem>>) attributes {dimension_semantics = [#tpu.dimension_semantics<arbitrary>], iteration_bounds = array<i64: 16>, scalar_prefetch = 0 : i64, scratch_operands = 0 : i64, tpu.core_type = #tpu.core_type<tc>, window_params = [{transform_indices = @transform_0, window_bounds = array<i64: 1024, 64>}, {pipeline_mode = #tpu.pipeline_mode<synchronous>, transform_indices = @transform_1, window_bounds = array<i64: 64, 8192>}, {transform_indices = @transform_2, window_bounds = array<i64: 1024, 1>}, {transform_indices = @transform_3, window_bounds = array<i64: 1024, 1>}, {pipeline_mode = #tpu.pipeline_mode<synchronous>, transform_indices = @transform_4, window_bounds = array<i64: 1, 8192>}]} {
    %eq3A = arith.constant 0 : i32
    %eq3A_0 = arith.cmpi eq, %arg0, %eq3A : i32
    %convert_element_type3A = arith.extui %eq3A_0 : i1 to i32
    %cond3A = arith.constant 0 : i32
    %cond3A_1 = arith.cmpi ne, %convert_element_type3A, %cond3A : i32
    scf.if %cond3A_1 {
      %broadcast_in_dim3A_23 = arith.constant 0.000000e+00 : f32
      %broadcast_in_dim3A_24 = vector.broadcast %broadcast_in_dim3A_23 : f32 to vector<1x8192xf32>
      %swap3A = arith.constant 0 : index
      %swap3A_25 = arith.constant 0 : index
      %swap3A_26 = vector.load %arg5[%swap3A, %swap3A_25] : memref<1x8192xf32, #tpu.memory_space<vmem>>, vector<1x8192xf32>
      tpu.vector_store %arg5[%swap3A, %swap3A_25], %broadcast_in_dim3A_24 {strides = array<i32>} : memref<1x8192xf32, #tpu.memory_space<vmem>>, vector<1x8192xf32>,
    } else {
    }
    %get3A = arith.constant 0 : index
    %get3A_2 = arith.constant 0 : index
    %get3A_3 = vector.load %arg2[%get3A, %get3A_2] : memref<64x8192xf32, #tpu.memory_space<vmem>>, vector<64x8192xf32>
    %mul3A = arith.mulf %get3A_3, %get3A_3 : vector<64x8192xf32>
    %reduce_sum3A = arith.constant dense<0.000000e+00> : vector<8192xf32>
    %reduce_sum3A_4 = vector.multi_reduction <add>, %mul3A, %reduce_sum3A [0] : vector<64x8192xf32> to vector<8192xf32>
    %broadcast_in_dim3A = vector.shape_cast %reduce_sum3A_4 : vector<8192xf32> to vector<1x8192xf32>
    %get3A_5 = arith.constant 0 : index
    %get3A_6 = arith.constant 0 : index
    %get3A_7 = vector.load %arg1[%get3A_5, %get3A_6] : memref<1024x64xf32, #tpu.memory_space<vmem>>, vector<1024x64xf32>
    %get3A_8 = arith.constant 0 : index
    %get3A_9 = arith.constant 0 : index
    %get3A_10 = vector.load %arg3[%get3A_8, %get3A_9] : memref<1024x1xf32, #tpu.memory_space<vmem>>, vector<1024x1xf32>
    %iota3A = tpu.iota {dimensions = array<i32: 1>} : vector<1024x2048xi32>
    %reduce_max3A = vector.shape_cast %get3A_10 : vector<1024x1xf32> to vector<1x1024x1xf32>
    %reduce_max3A_11 = arith.constant dense<0xFF800000> : vector<1xf32>
    %reduce_max3A_12 = vector.multi_reduction <maximumf>, %reduce_max3A, %reduce_max3A_11 [1, 2] : vector<1x1024x1xf32> to vector<1xf32>
    %reduce_max3A_13 = vector.shape_cast %reduce_max3A_12 : vector<1xf32> to vector<1x1x1xf32>
    %reduce_max3A_14 = vector.extract %reduce_max3A_13[0, 0, 0] : f32 from vector<1x1x1xf32>
    %gt3A = arith.constant 0.000000e+00 : f32
    %gt3A_15 = arith.cmpf ogt, %reduce_max3A_14, %gt3A : f32
    %convert_element_type3A_16 = arith.extui %gt3A_15 : i1 to i32
    %cond3A_17 = arith.constant 0 : i32
    %cond3A_18 = arith.cmpi ne, %convert_element_type3A_16, %cond3A_17 : i32
    scf.if %cond3A_18 {
      %mul3A_23 = arith.mulf %get3A_7, %get3A_7 : vector<1024x64xf32>
      %reduce_sum3A_24 = arith.constant dense<0.000000e+00> : vector<1024xf32>
      %reduce_sum3A_25 = vector.multi_reduction <add>, %mul3A_23, %reduce_sum3A_24 [1] : vector<1024x64xf32> to vector<1024xf32>
      %broadcast_in_dim3A_26 = vector.shape_cast %reduce_sum3A_25 : vector<1024xf32> to vector<1024x1xf32>
      %broadcast_in_dim3A_27 = arith.constant 0x7F800000 : f32
      %broadcast_in_dim3A_28 = vector.broadcast %broadcast_in_dim3A_27 : f32 to vector<1024x1xf32>
      %broadcast_in_dim3A_29 = arith.constant 0 : i32
      %broadcast_in_dim3A_30 = vector.broadcast %broadcast_in_dim3A_29 : i32 to vector<1024x1xi32>
      %slice3A = vector.extract_strided_slice %get3A_3 {offsets = [0, 0], sizes = [64, 2048], strides = [1, 1]} : vector<64x8192xf32> to vector<64x2048xf32>
      %dot_general3A = arith.constant dense<0.000000e+00> : vector<1024x2048xf32>
      %dot_general3A_31 = tpu.matmul %get3A_7, %slice3A, %dot_general3A {dimension_numbers = #tpu.dot_dimension_numbers<[1], [0], [0], [1], [0, 0, 1, 1], [], []>, transpose_lhs_hint = false} : vector<1024x64xf32>, vector<64x2048xf32>, vector<1024x2048xf32> -> vector<1024x2048xf32>
      %mul3A_32 = arith.constant 2.000000e+00 : f32
      %mul3A_33 = vector.broadcast %mul3A_32 : f32 to vector<1024x2048xf32>
      %mul3A_34 = arith.mulf %mul3A_33, %dot_general3A_31 : vector<1024x2048xf32>
      %sub3A = vector.broadcast %broadcast_in_dim3A_26 : vector<1024x1xf32> to vector<1024x2048xf32>
      %sub3A_35 = arith.subf %sub3A, %mul3A_34 : vector<1024x2048xf32>
      %slice3A_36 = vector.extract_strided_slice %broadcast_in_dim3A {offsets = [0, 0], sizes = [1, 2048], strides = [1, 1]} : vector<1x8192xf32> to vector<1x2048xf32>
      %add3A = vector.broadcast %slice3A_36 : vector<1x2048xf32> to vector<1024x2048xf32>
      %add3A_37 = arith.addf %sub3A_35, %add3A : vector<1024x2048xf32>
      %reduce_min3A = arith.constant dense<0x7F800000> : vector<1024xf32>
      %reduce_min3A_38 = vector.multi_reduction <minimumf>, %add3A_37, %reduce_min3A [1] : vector<1024x2048xf32> to vector<1024xf32>
      %broadcast_in_dim3A_39 = vector.shape_cast %reduce_min3A_38 : vector<1024xf32> to vector<1024x1xf32>
      %eq3A_40 = vector.broadcast %broadcast_in_dim3A_39 : vector<1024x1xf32> to vector<1024x2048xf32>
      %eq3A_41 = arith.cmpf oeq, %add3A_37, %eq3A_40 : vector<1024x2048xf32>
      %add3A_42 = arith.constant 0 : i32
      %add3A_43 = vector.broadcast %add3A_42 : i32 to vector<1024x2048xi32>
      %add3A_44 = arith.addi %iota3A, %add3A_43 : vector<1024x2048xi32>
      %jit3A = arith.constant 8192 : i32
      %broadcast_in_dim3A_45 = vector.broadcast %jit3A : i32 to vector<1024x2048xi32>
      %select_n3A = arith.select %eq3A_41, %add3A_44, %broadcast_in_dim3A_45 : vector<1024x2048xi1>, vector<1024x2048xi32>
      %reduce_min3A_46 = arith.constant dense<2147483647> : vector<1024xi32>
      %reduce_min3A_47 = vector.multi_reduction <minsi>, %select_n3A, %reduce_min3A_46 [1] : vector<1024x2048xi32> to vector<1024xi32>
      %broadcast_in_dim3A_48 = vector.shape_cast %reduce_min3A_47 : vector<1024xi32> to vector<1024x1xi32>
      %lt3A = arith.cmpf olt, %broadcast_in_dim3A_39, %broadcast_in_dim3A_28 : vector<1024x1xf32>
      %select_n3A_49 = arith.select %lt3A, %broadcast_in_dim3A_48, %broadcast_in_dim3A_30 : vector<1024x1xi1>, vector<1024x1xi32>
      %select_n3A_50 = arith.select %lt3A, %broadcast_in_dim3A_39, %broadcast_in_dim3A_28 : vector<1024x1xi1>, vector<1024x1xf32>
      %slice3A_51 = vector.extract_strided_slice %get3A_3 {offsets = [0, 2048], sizes = [64, 2048], strides = [1, 1]} : vector<64x8192xf32> to vector<64x2048xf32>
      %dot_general3A_52 = arith.constant dense<0.000000e+00> : vector<1024x2048xf32>
      %dot_general3A_53 = tpu.matmul %get3A_7, %slice3A_51, %dot_general3A_52 {dimension_numbers = #tpu.dot_dimension_numbers<[1], [0], [0], [1], [0, 0, 1, 1], [], []>, transpose_lhs_hint = false} : vector<1024x64xf32>, vector<64x2048xf32>, vector<1024x2048xf32> -> vector<1024x2048xf32>
      %mul3A_54 = arith.constant 2.000000e+00 : f32
      %mul3A_55 = vector.broadcast %mul3A_54 : f32 to vector<1024x2048xf32>
      %mul3A_56 = arith.mulf %mul3A_55, %dot_general3A_53 : vector<1024x2048xf32>
      %sub3A_57 = vector.broadcast %broadcast_in_dim3A_26 : vector<1024x1xf32> to vector<1024x2048xf32>
      %sub3A_58 = arith.subf %sub3A_57, %mul3A_56 : vector<1024x2048xf32>
      %slice3A_59 = vector.extract_strided_slice %broadcast_in_dim3A {offsets = [0, 2048], sizes = [1, 2048], strides = [1, 1]} : vector<1x8192xf32> to vector<1x2048xf32>
      %add3A_60 = vector.broadcast %slice3A_59 : vector<1x2048xf32> to vector<1024x2048xf32>
      %add3A_61 = arith.addf %sub3A_58, %add3A_60 : vector<1024x2048xf32>
      %reduce_min3A_62 = arith.constant dense<0x7F800000> : vector<1024xf32>
      %reduce_min3A_63 = vector.multi_reduction <minimumf>, %add3A_61, %reduce_min3A_62 [1] : vector<1024x2048xf32> to vector<1024xf32>
      %broadcast_in_dim3A_64 = vector.shape_cast %reduce_min3A_63 : vector<1024xf32> to vector<1024x1xf32>
      %eq3A_65 = vector.broadcast %broadcast_in_dim3A_64 : vector<1024x1xf32> to vector<1024x2048xf32>
      %eq3A_66 = arith.cmpf oeq, %add3A_61, %eq3A_65 : vector<1024x2048xf32>
      %add3A_67 = arith.constant 2048 : i32
      %add3A_68 = vector.broadcast %add3A_67 : i32 to vector<1024x2048xi32>
      %add3A_69 = arith.addi %iota3A, %add3A_68 : vector<1024x2048xi32>
      %jit3A_70 = arith.constant 8192 : i32
      %broadcast_in_dim3A_71 = vector.broadcast %jit3A_70 : i32 to vector<1024x2048xi32>
      %select_n3A_72 = arith.select %eq3A_66, %add3A_69, %broadcast_in_dim3A_71 : vector<1024x2048xi1>, vector<1024x2048xi32>
      %reduce_min3A_73 = arith.constant dense<2147483647> : vector<1024xi32>
      %reduce_min3A_74 = vector.multi_reduction <minsi>, %select_n3A_72, %reduce_min3A_73 [1] : vector<1024x2048xi32> to vector<1024xi32>
      %broadcast_in_dim3A_75 = vector.shape_cast %reduce_min3A_74 : vector<1024xi32> to vector<1024x1xi32>
      %lt3A_76 = arith.cmpf olt, %broadcast_in_dim3A_64, %select_n3A_50 : vector<1024x1xf32>
      %select_n3A_77 = arith.select %lt3A_76, %broadcast_in_dim3A_75, %select_n3A_49 : vector<1024x1xi1>, vector<1024x1xi32>
      %select_n3A_78 = arith.select %lt3A_76, %broadcast_in_dim3A_64, %select_n3A_50 : vector<1024x1xi1>, vector<1024x1xf32>
      %slice3A_79 = vector.extract_strided_slice %get3A_3 {offsets = [0, 4096], sizes = [64, 2048], strides = [1, 1]} : vector<64x8192xf32> to vector<64x2048xf32>
      %dot_general3A_80 = arith.constant dense<0.000000e+00> : vector<1024x2048xf32>
      %dot_general3A_81 = tpu.matmul %get3A_7, %slice3A_79, %dot_general3A_80 {dimension_numbers = #tpu.dot_dimension_numbers<[1], [0], [0], [1], [0, 0, 1, 1], [], []>, transpose_lhs_hint = false} : vector<1024x64xf32>, vector<64x2048xf32>, vector<1024x2048xf32> -> vector<1024x2048xf32>
      %mul3A_82 = arith.constant 2.000000e+00 : f32
      %mul3A_83 = vector.broadcast %mul3A_82 : f32 to vector<1024x2048xf32>
      %mul3A_84 = arith.mulf %mul3A_83, %dot_general3A_81 : vector<1024x2048xf32>
      %sub3A_85 = vector.broadcast %broadcast_in_dim3A_26 : vector<1024x1xf32> to vector<1024x2048xf32>
      %sub3A_86 = arith.subf %sub3A_85, %mul3A_84 : vector<1024x2048xf32>
      %slice3A_87 = vector.extract_strided_slice %broadcast_in_dim3A {offsets = [0, 4096], sizes = [1, 2048], strides = [1, 1]} : vector<1x8192xf32> to vector<1x2048xf32>
      %add3A_88 = vector.broadcast %slice3A_87 : vector<1x2048xf32> to vector<1024x2048xf32>
      %add3A_89 = arith.addf %sub3A_86, %add3A_88 : vector<1024x2048xf32>
      %reduce_min3A_90 = arith.constant dense<0x7F800000> : vector<1024xf32>
      %reduce_min3A_91 = vector.multi_reduction <minimumf>, %add3A_89, %reduce_min3A_90 [1] : vector<1024x2048xf32> to vector<1024xf32>
      %broadcast_in_dim3A_92 = vector.shape_cast %reduce_min3A_91 : vector<1024xf32> to vector<1024x1xf32>
      %eq3A_93 = vector.broadcast %broadcast_in_dim3A_92 : vector<1024x1xf32> to vector<1024x2048xf32>
      %eq3A_94 = arith.cmpf oeq, %add3A_89, %eq3A_93 : vector<1024x2048xf32>
      %add3A_95 = arith.constant 4096 : i32
      %add3A_96 = vector.broadcast %add3A_95 : i32 to vector<1024x2048xi32>
      %add3A_97 = arith.addi %iota3A, %add3A_96 : vector<1024x2048xi32>
      %jit3A_98 = arith.constant 8192 : i32
      %broadcast_in_dim3A_99 = vector.broadcast %jit3A_98 : i32 to vector<1024x2048xi32>
      %select_n3A_100 = arith.select %eq3A_94, %add3A_97, %broadcast_in_dim3A_99 : vector<1024x2048xi1>, vector<1024x2048xi32>
      %reduce_min3A_101 = arith.constant dense<2147483647> : vector<1024xi32>
      %reduce_min3A_102 = vector.multi_reduction <minsi>, %select_n3A_100, %reduce_min3A_101 [1] : vector<1024x2048xi32> to vector<1024xi32>
      %broadcast_in_dim3A_103 = vector.shape_cast %reduce_min3A_102 : vector<1024xi32> to vector<1024x1xi32>
      %lt3A_104 = arith.cmpf olt, %broadcast_in_dim3A_92, %select_n3A_78 : vector<1024x1xf32>
      %select_n3A_105 = arith.select %lt3A_104, %broadcast_in_dim3A_103, %select_n3A_77 : vector<1024x1xi1>, vector<1024x1xi32>
      %select_n3A_106 = arith.select %lt3A_104, %broadcast_in_dim3A_92, %select_n3A_78 : vector<1024x1xi1>, vector<1024x1xf32>
      %slice3A_107 = vector.extract_strided_slice %get3A_3 {offsets = [0, 6144], sizes = [64, 2048], strides = [1, 1]} : vector<64x8192xf32> to vector<64x2048xf32>
      %dot_general3A_108 = arith.constant dense<0.000000e+00> : vector<1024x2048xf32>
      %dot_general3A_109 = tpu.matmul %get3A_7, %slice3A_107, %dot_general3A_108 {dimension_numbers = #tpu.dot_dimension_numbers<[1], [0], [0], [1], [0, 0, 1, 1], [], []>, transpose_lhs_hint = false} : vector<1024x64xf32>, vector<64x2048xf32>, vector<1024x2048xf32> -> vector<1024x2048xf32>
      %mul3A_110 = arith.constant 2.000000e+00 : f32
      %mul3A_111 = vector.broadcast %mul3A_110 : f32 to vector<1024x2048xf32>
      %mul3A_112 = arith.mulf %mul3A_111, %dot_general3A_109 : vector<1024x2048xf32>
      %sub3A_113 = vector.broadcast %broadcast_in_dim3A_26 : vector<1024x1xf32> to vector<1024x2048xf32>
      %sub3A_114 = arith.subf %sub3A_113, %mul3A_112 : vector<1024x2048xf32>
      %slice3A_115 = vector.extract_strided_slice %broadcast_in_dim3A {offsets = [0, 6144], sizes = [1, 2048], strides = [1, 1]} : vector<1x8192xf32> to vector<1x2048xf32>
      %add3A_116 = vector.broadcast %slice3A_115 : vector<1x2048xf32> to vector<1024x2048xf32>
      %add3A_117 = arith.addf %sub3A_114, %add3A_116 : vector<1024x2048xf32>
      %reduce_min3A_118 = arith.constant dense<0x7F800000> : vector<1024xf32>
      %reduce_min3A_119 = vector.multi_reduction <minimumf>, %add3A_117, %reduce_min3A_118 [1] : vector<1024x2048xf32> to vector<1024xf32>
      %broadcast_in_dim3A_120 = vector.shape_cast %reduce_min3A_119 : vector<1024xf32> to vector<1024x1xf32>
      %eq3A_121 = vector.broadcast %broadcast_in_dim3A_120 : vector<1024x1xf32> to vector<1024x2048xf32>
      %eq3A_122 = arith.cmpf oeq, %add3A_117, %eq3A_121 : vector<1024x2048xf32>
      %add3A_123 = arith.constant 6144 : i32
      %add3A_124 = vector.broadcast %add3A_123 : i32 to vector<1024x2048xi32>
      %add3A_125 = arith.addi %iota3A, %add3A_124 : vector<1024x2048xi32>
      %jit3A_126 = arith.constant 8192 : i32
      %broadcast_in_dim3A_127 = vector.broadcast %jit3A_126 : i32 to vector<1024x2048xi32>
      %select_n3A_128 = arith.select %eq3A_122, %add3A_125, %broadcast_in_dim3A_127 : vector<1024x2048xi1>, vector<1024x2048xi32>
      %reduce_min3A_129 = arith.constant dense<2147483647> : vector<1024xi32>
      %reduce_min3A_130 = vector.multi_reduction <minsi>, %select_n3A_128, %reduce_min3A_129 [1] : vector<1024x2048xi32> to vector<1024xi32>
      %broadcast_in_dim3A_131 = vector.shape_cast %reduce_min3A_130 : vector<1024xi32> to vector<1024x1xi32>
      %lt3A_132 = arith.cmpf olt, %broadcast_in_dim3A_120, %select_n3A_106 : vector<1024x1xf32>
      %select_n3A_133 = arith.select %lt3A_132, %broadcast_in_dim3A_131, %select_n3A_105 : vector<1024x1xi1>, vector<1024x1xi32>
      %swap3A = arith.constant 0 : index
      %swap3A_134 = arith.constant 0 : index
      %swap3A_135 = vector.load %arg4[%swap3A, %swap3A_134] : memref<1024x1xi32, #tpu.memory_space<vmem>>, vector<1024x1xi32>
      tpu.vector_store %arg4[%swap3A, %swap3A_134], %select_n3A_133 {strides = array<i32>} : memref<1024x1xi32, #tpu.memory_space<vmem>>, vector<1024x1xi32>,
      %add3A_136 = arith.constant 0 : i32
      %add3A_137 = vector.broadcast %add3A_136 : i32 to vector<1024x2048xi32>
      %add3A_138 = arith.addi %iota3A, %add3A_137 : vector<1024x2048xi32>
      %eq3A_139 = vector.broadcast %select_n3A_133 : vector<1024x1xi32> to vector<1024x2048xi32>
      %eq3A_140 = arith.cmpi eq, %eq3A_139, %add3A_138 : vector<1024x2048xi32>
      %convert_element_type3A_141 = arith.extui %eq3A_140 : vector<1024x2048xi1> to vector<1024x2048xi32>
      %convert_element_type3A_142 = arith.sitofp %convert_element_type3A_141 : vector<1024x2048xi32> to vector<1024x2048xf32>
      %get3A_143 = arith.constant 0 : index
      %get3A_144 = arith.constant 0 : index
      %get3A_145 = vector.load %arg5[%get3A_143, %get3A_144] : memref<1x8192xf32, #tpu.memory_space<vmem>>, vector<1x2048xf32>
      %dot_general3A_146 = arith.constant dense<0.000000e+00> : vector<1x2048xf32>
      %dot_general3A_147 = tpu.matmul %get3A_10, %convert_element_type3A_142, %dot_general3A_146 {dimension_numbers = #tpu.dot_dimension_numbers<[0], [0], [1], [1], [0, 1, 1, 1], [], []>, transpose_lhs_hint = false} : vector<1024x1xf32>, vector<1024x2048xf32>, vector<1x2048xf32> -> vector<1x2048xf32>
      %add3A_148 = arith.addf %get3A_145, %dot_general3A_147 : vector<1x2048xf32>
      %swap3A_149 = arith.constant 0 : index
      %swap3A_150 = arith.constant 0 : index
      %swap3A_151 = vector.load %arg5[%swap3A_149, %swap3A_150] : memref<1x8192xf32, #tpu.memory_space<vmem>>, vector<1x2048xf32>
      tpu.vector_store %arg5[%swap3A_149, %swap3A_150], %add3A_148 {strides = array<i32>} : memref<1x8192xf32, #tpu.memory_space<vmem>>, vector<1x2048xf32>,
      %add3A_152 = arith.constant 2048 : i32
      %add3A_153 = vector.broadcast %add3A_152 : i32 to vector<1024x2048xi32>
      %add3A_154 = arith.addi %iota3A, %add3A_153 : vector<1024x2048xi32>
      %eq3A_155 = vector.broadcast %select_n3A_133 : vector<1024x1xi32> to vector<1024x2048xi32>
      %eq3A_156 = arith.cmpi eq, %eq3A_155, %add3A_154 : vector<1024x2048xi32>
      %convert_element_type3A_157 = arith.extui %eq3A_156 : vector<1024x2048xi1> to vector<1024x2048xi32>
      %convert_element_type3A_158 = arith.sitofp %convert_element_type3A_157 : vector<1024x2048xi32> to vector<1024x2048xf32>
      %get3A_159 = arith.constant 0 : index
      %get3A_160 = arith.constant 2048 : index
      %get3A_161 = vector.load %arg5[%get3A_159, %get3A_160] : memref<1x8192xf32, #tpu.memory_space<vmem>>, vector<1x2048xf32>
      %dot_general3A_162 = arith.constant dense<0.000000e+00> : vector<1x2048xf32>
      %dot_general3A_163 = tpu.matmul %get3A_10, %convert_element_type3A_158, %dot_general3A_162 {dimension_numbers = #tpu.dot_dimension_numbers<[0], [0], [1], [1], [0, 1, 1, 1], [], []>, transpose_lhs_hint = false} : vector<1024x1xf32>, vector<1024x2048xf32>, vector<1x2048xf32> -> vector<1x2048xf32>
      %add3A_164 = arith.addf %get3A_161, %dot_general3A_163 : vector<1x2048xf32>
      %swap3A_165 = arith.constant 0 : index
      %swap3A_166 = arith.constant 2048 : index
      %swap3A_167 = vector.load %arg5[%swap3A_165, %swap3A_166] : memref<1x8192xf32, #tpu.memory_space<vmem>>, vector<1x2048xf32>
      tpu.vector_store %arg5[%swap3A_165, %swap3A_166], %add3A_164 {strides = array<i32>} : memref<1x8192xf32, #tpu.memory_space<vmem>>, vector<1x2048xf32>,
      %add3A_168 = arith.constant 4096 : i32
      %add3A_169 = vector.broadcast %add3A_168 : i32 to vector<1024x2048xi32>
      %add3A_170 = arith.addi %iota3A, %add3A_169 : vector<1024x2048xi32>
      %eq3A_171 = vector.broadcast %select_n3A_133 : vector<1024x1xi32> to vector<1024x2048xi32>
      %eq3A_172 = arith.cmpi eq, %eq3A_171, %add3A_170 : vector<1024x2048xi32>
      %convert_element_type3A_173 = arith.extui %eq3A_172 : vector<1024x2048xi1> to vector<1024x2048xi32>
      %convert_element_type3A_174 = arith.sitofp %convert_element_type3A_173 : vector<1024x2048xi32> to vector<1024x2048xf32>
      %get3A_175 = arith.constant 0 : index
      %get3A_176 = arith.constant 4096 : index
      %get3A_177 = vector.load %arg5[%get3A_175, %get3A_176] : memref<1x8192xf32, #tpu.memory_space<vmem>>, vector<1x2048xf32>
      %dot_general3A_178 = arith.constant dense<0.000000e+00> : vector<1x2048xf32>
      %dot_general3A_179 = tpu.matmul %get3A_10, %convert_element_type3A_174, %dot_general3A_178 {dimension_numbers = #tpu.dot_dimension_numbers<[0], [0], [1], [1], [0, 1, 1, 1], [], []>, transpose_lhs_hint = false} : vector<1024x1xf32>, vector<1024x2048xf32>, vector<1x2048xf32> -> vector<1x2048xf32>
      %add3A_180 = arith.addf %get3A_177, %dot_general3A_179 : vector<1x2048xf32>
      %swap3A_181 = arith.constant 0 : index
      %swap3A_182 = arith.constant 4096 : index
      %swap3A_183 = vector.load %arg5[%swap3A_181, %swap3A_182] : memref<1x8192xf32, #tpu.memory_space<vmem>>, vector<1x2048xf32>
      tpu.vector_store %arg5[%swap3A_181, %swap3A_182], %add3A_180 {strides = array<i32>} : memref<1x8192xf32, #tpu.memory_space<vmem>>, vector<1x2048xf32>,
      %add3A_184 = arith.constant 6144 : i32
      %add3A_185 = vector.broadcast %add3A_184 : i32 to vector<1024x2048xi32>
      %add3A_186 = arith.addi %iota3A, %add3A_185 : vector<1024x2048xi32>
      %eq3A_187 = vector.broadcast %select_n3A_133 : vector<1024x1xi32> to vector<1024x2048xi32>
      %eq3A_188 = arith.cmpi eq, %eq3A_187, %add3A_186 : vector<1024x2048xi32>
      %convert_element_type3A_189 = arith.extui %eq3A_188 : vector<1024x2048xi1> to vector<1024x2048xi32>
      %convert_element_type3A_190 = arith.sitofp %convert_element_type3A_189 : vector<1024x2048xi32> to vector<1024x2048xf32>
      %get3A_191 = arith.constant 0 : index
      %get3A_192 = arith.constant 6144 : index
      %get3A_193 = vector.load %arg5[%get3A_191, %get3A_192] : memref<1x8192xf32, #tpu.memory_space<vmem>>, vector<1x2048xf32>
      %dot_general3A_194 = arith.constant dense<0.000000e+00> : vector<1x2048xf32>
      %dot_general3A_195 = tpu.matmul %get3A_10, %convert_element_type3A_190, %dot_general3A_194 {dimension_numbers = #tpu.dot_dimension_numbers<[0], [0], [1], [1], [0, 1, 1, 1], [], []>, transpose_lhs_hint = false} : vector<1024x1xf32>, vector<1024x2048xf32>, vector<1x2048xf32> -> vector<1x2048xf32>
      %add3A_196 = arith.addf %get3A_193, %dot_general3A_195 : vector<1x2048xf32>
      %swap3A_197 = arith.constant 0 : index
      %swap3A_198 = arith.constant 6144 : index
      %swap3A_199 = vector.load %arg5[%swap3A_197, %swap3A_198] : memref<1x8192xf32, #tpu.memory_space<vmem>>, vector<1x2048xf32>
      tpu.vector_store %arg5[%swap3A_197, %swap3A_198], %add3A_196 {strides = array<i32>} : memref<1x8192xf32, #tpu.memory_space<vmem>>, vector<1x2048xf32>,
    } else {
    }
    %not3A = arith.constant true
    %not3A_19 = arith.xori %gt3A_15, %not3A : i1
    %convert_element_type3A_20 = arith.extui %not3A_19 : i1 to i32
    %cond3A_21 = arith.constant 0 : i32
    %cond3A_22 = arith.cmpi ne, %convert_element_type3A_20, %cond3A_21 : i32
    scf.if %cond3A_22 {
      %iota3A_23 = tpu.iota {dimensions = array<i32: 1>} : vector<1x8192xi32>
      %reduce_min3A = arith.constant dense<0x7F800000> : vector<1xf32>
      %reduce_min3A_24 = vector.multi_reduction <minimumf>, %broadcast_in_dim3A, %reduce_min3A [1] : vector<1x8192xf32> to vector<1xf32>
      %broadcast_in_dim3A_25 = vector.shape_cast %reduce_min3A_24 : vector<1xf32> to vector<1x1xf32>
      %eq3A_26 = vector.broadcast %broadcast_in_dim3A_25 : vector<1x1xf32> to vector<1x8192xf32>
      %eq3A_27 = arith.cmpf oeq, %broadcast_in_dim3A, %eq3A_26 : vector<1x8192xf32>
      %jit3A = arith.constant 8192 : i32
      %broadcast_in_dim3A_28 = vector.broadcast %jit3A : i32 to vector<1x8192xi32>
      %select_n3A = arith.select %eq3A_27, %iota3A_23, %broadcast_in_dim3A_28 : vector<1x8192xi1>, vector<1x8192xi32>
      %reduce_min3A_29 = arith.constant dense<2147483647> : vector<1xi32>
      %reduce_min3A_30 = vector.multi_reduction <minsi>, %select_n3A, %reduce_min3A_29 [1] : vector<1x8192xi32> to vector<1xi32>
      %broadcast_in_dim3A_31 = vector.shape_cast %reduce_min3A_30 : vector<1xi32> to vector<1x1xi32>
      %broadcast_in_dim3A_32 = vector.shape_cast %broadcast_in_dim3A_31 : vector<1x1xi32> to vector<1x1xi32>
      %broadcast_in_dim3A_33 = vector.broadcast %broadcast_in_dim3A_32 : vector<1x1xi32> to vector<1024x1xi32>
      %swap3A = arith.constant 0 : index
      %swap3A_34 = arith.constant 0 : index
      %swap3A_35 = vector.load %arg4[%swap3A, %swap3A_34] : memref<1024x1xi32, #tpu.memory_space<vmem>>, vector<1024x1xi32>
      tpu.vector_store %arg4[%swap3A, %swap3A_34], %broadcast_in_dim3A_33 {strides = array<i32>} : memref<1024x1xi32, #tpu.memory_space<vmem>>, vector<1024x1xi32>,
    } else {
    }
    return
  }
  func.func @transform_0(%arg0: i32) -> (i32, i32) {
    %c0_i32 = arith.constant 0 : i32
    %c0_i32_0 = arith.constant 0 : i32
    return %arg0, %c0_i32 : i32, i32
  }
  func.func @transform_1(%arg0: i32) -> (i32, i32) {
    %c0_i32 = arith.constant 0 : i32
    %c0_i32_0 = arith.constant 0 : i32
    %c0_i32_1 = arith.constant 0 : i32
    return %c0_i32, %c0_i32_0 : i32, i32
  }
  func.func @transform_2(%arg0: i32) -> (i32, i32) {
    %c0_i32 = arith.constant 0 : i32
    %c0_i32_0 = arith.constant 0 : i32
    return %arg0, %c0_i32 : i32, i32
  }
  func.func @transform_3(%arg0: i32) -> (i32, i32) {
    %c0_i32 = arith.constant 0 : i32
    %c0_i32_0 = arith.constant 0 : i32
    return %arg0, %c0_i32 : i32, i32
  }
  func.func @transform_4(%arg0: i32) -> (i32, i32) {
    %c0_i32 = arith.constant 0 : i32
    %c0_i32_0 = arith.constant 0 : i32
    %c0_i32_1 = arith.constant 0 : i32
    return %c0_i32, %c0_i32_0 : i32, i32
  }
}

module attributes {stable_mosaic.version = 14 : i64} {
  func.func @_stage_e(%arg0: memref<16384x64xf32, #tpu.memory_space<vmem>>, %arg1: memref<16384x64xf32, #tpu.memory_space<vmem>>, %arg2: memref<16384x1xf32, #tpu.memory_space<vmem>>, %arg3: memref<1x8192xf32, #tpu.memory_space<vmem>>, %arg4: memref<1x8xf32, #tpu.memory_space<vmem>>, %arg5: memref<16384x64xf32, #tpu.memory_space<vmem>>, %arg6: memref<1x8xf32, #tpu.memory_space<vmem>>) attributes {dimension_semantics = [], scalar_prefetch = 0 : i64, scratch_operands = 0 : i64, tpu.core_type = #tpu.core_type<tc>} {
    %get3A = arith.constant 0 : index
    %get3A_0 = arith.constant 0 : index
    %get3A_1 = vector.load %arg0[%get3A, %get3A_0] : memref<16384x64xf32, #tpu.memory_space<vmem>>, vector<16384x64xf32>
    %get3A_2 = arith.constant 0 : index
    %get3A_3 = arith.constant 0 : index
    %get3A_4 = vector.load %arg1[%get3A_2, %get3A_3] : memref<16384x64xf32, #tpu.memory_space<vmem>>, vector<16384x64xf32>
    %get3A_5 = arith.constant 0 : index
    %get3A_6 = arith.constant 0 : index
    %get3A_7 = vector.load %arg2[%get3A_5, %get3A_6] : memref<16384x1xf32, #tpu.memory_space<vmem>>, vector<16384x1xf32>
    %sub3A = arith.subf %get3A_1, %get3A_4 : vector<16384x64xf32>
    %square3A = arith.mulf %sub3A, %sub3A : vector<16384x64xf32>
    %mul3A = vector.broadcast %get3A_7 : vector<16384x1xf32> to vector<16384x64xf32>
    %mul3A_8 = arith.mulf %square3A, %mul3A : vector<16384x64xf32>
    %reduce_sum3A = vector.shape_cast %mul3A_8 : vector<16384x64xf32> to vector<1x16384x64xf32>
    %reduce_sum3A_9 = arith.constant dense<0.000000e+00> : vector<1xf32>
    %reduce_sum3A_10 = vector.multi_reduction <add>, %reduce_sum3A, %reduce_sum3A_9 [1, 2] : vector<1x16384x64xf32> to vector<1xf32>
    %reduce_sum3A_11 = vector.shape_cast %reduce_sum3A_10 : vector<1xf32> to vector<1x1x1xf32>
    %reduce_sum3A_12 = vector.extract %reduce_sum3A_11[0, 0, 0] : f32 from vector<1x1x1xf32>
    %sub3A_13 = arith.subf %get3A_1, %get3A_4 : vector<16384x64xf32>
    %add3A = arith.addf %get3A_4, %sub3A_13 : vector<16384x64xf32>
    %mul3A_14 = vector.broadcast %get3A_7 : vector<16384x1xf32> to vector<16384x64xf32>
    %mul3A_15 = arith.mulf %add3A, %mul3A_14 : vector<16384x64xf32>
    %swap3A = arith.constant 0 : index
    %swap3A_16 = arith.constant 0 : index
    %swap3A_17 = vector.load %arg5[%swap3A, %swap3A_16] : memref<16384x64xf32, #tpu.memory_space<vmem>>, vector<16384x64xf32>
    tpu.vector_store %arg5[%swap3A, %swap3A_16], %mul3A_15 {strides = array<i32>} : memref<16384x64xf32, #tpu.memory_space<vmem>>, vector<16384x64xf32>,
    %get3A_18 = arith.constant 0 : index
    %get3A_19 = arith.constant 0 : index
    %get3A_20 = vector.load %arg4[%get3A_18, %get3A_19] : memref<1x8xf32, #tpu.memory_space<vmem>>, vector<1x1xf32>
    %get3A_21 = vector.extract %get3A_20[0, 0] : f32 from vector<1x1xf32>
    %max3A = arith.constant 1.000000e+00 : f32
    %max3A_22 = arith.maximumf %get3A_21, %max3A : f32
    %mul3A_23 = arith.constant 1.250000e+00 : f32
    %mul3A_24 = arith.mulf %mul3A_23, %reduce_sum3A_12 : f32
    %mul3A_25 = arith.constant 6.400000e+01 : f32
    %mul3A_26 = arith.mulf %max3A_22, %mul3A_25 : f32
    %div3A = arith.divf %mul3A_24, %mul3A_26 : f32
    %get3A_27 = arith.constant 0 : index
    %get3A_28 = arith.constant 0 : index
    %get3A_29 = vector.load %arg3[%get3A_27, %get3A_28] : memref<1x8192xf32, #tpu.memory_space<vmem>>, vector<1x8192xf32>
    %div3A_30 = vector.broadcast %max3A_22 : f32 to vector<1x8192xf32>
    %div3A_31 = arith.divf %get3A_29, %div3A_30 : vector<1x8192xf32>
    %add3A_32 = arith.constant 1.000000e-10 : f32
    %add3A_33 = vector.broadcast %add3A_32 : f32 to vector<1x8192xf32>
    %add3A_34 = arith.addf %div3A_31, %add3A_33 : vector<1x8192xf32>
    %log3A = math.log %add3A_34 : vector<1x8192xf32>
    %mul3A_35 = arith.mulf %div3A_31, %log3A : vector<1x8192xf32>
    %reduce_sum3A_36 = vector.shape_cast %mul3A_35 : vector<1x8192xf32> to vector<1x1x8192xf32>
    %reduce_sum3A_37 = arith.constant dense<0.000000e+00> : vector<1xf32>
    %reduce_sum3A_38 = vector.multi_reduction <add>, %reduce_sum3A_36, %reduce_sum3A_37 [1, 2] : vector<1x1x8192xf32> to vector<1xf32>
    %reduce_sum3A_39 = vector.shape_cast %reduce_sum3A_38 : vector<1xf32> to vector<1x1x1xf32>
    %reduce_sum3A_40 = vector.extract %reduce_sum3A_39[0, 0, 0] : f32 from vector<1x1x1xf32>
    %neg3A = arith.constant 0.000000e+00 : f32
    %neg3A_41 = arith.subf %neg3A, %reduce_sum3A_40 : f32
    %exp3A = math.exp %neg3A_41 : f32
    %iota3A = tpu.iota {dimensions = array<i32: 1>} : vector<1x8xi32>
    %eq3A = arith.constant 0 : i32
    %eq3A_42 = vector.broadcast %eq3A : i32 to vector<1x8xi32>
    %eq3A_43 = arith.cmpi eq, %iota3A, %eq3A_42 : vector<1x8xi32>
    %eq3A_44 = arith.constant 1 : i32
    %eq3A_45 = vector.broadcast %eq3A_44 : i32 to vector<1x8xi32>
    %eq3A_46 = arith.cmpi eq, %iota3A, %eq3A_45 : vector<1x8xi32>
    %jit3A = arith.constant 0.000000e+00 : f32
    %broadcast_in_dim3A = vector.broadcast %exp3A : f32 to vector<1x8xf32>
    %broadcast_in_dim3A_47 = vector.broadcast %jit3A : f32 to vector<1x8xf32>
    %select_n3A = arith.select %eq3A_46, %broadcast_in_dim3A, %broadcast_in_dim3A_47 : vector<1x8xi1>, vector<1x8xf32>
    %broadcast_in_dim3A_48 = vector.broadcast %div3A : f32 to vector<1x8xf32>
    %select_n3A_49 = arith.select %eq3A_43, %broadcast_in_dim3A_48, %select_n3A : vector<1x8xi1>, vector<1x8xf32>
    %swap3A_50 = arith.constant 0 : index
    %swap3A_51 = arith.constant 0 : index
    %swap3A_52 = vector.load %arg6[%swap3A_50, %swap3A_51] : memref<1x8xf32, #tpu.memory_space<vmem>>, vector<1x8xf32>
    tpu.vector_store %arg6[%swap3A_50, %swap3A_51], %select_n3A_49 {strides = array<i32>} : memref<1x8xf32, #tpu.memory_space<vmem>>, vector<1x8xf32>,
    return
  }
}

</mosaic_0001>

<sc_bundles>
// kernel: kernel.8.cloned.1.call-start
scs
__scs_entry_jumppad:
0x0: {  	(pc) =	sbr.rel $0x88, $3  }
0x1: {  	(tag) =	ssettag $0x0;
	lr =	simm.s32 $0x1  }
0x2: {  	[smem:$0x3F9A] =	sst lr;
	_ =	strace $0xD0000000  }
0x3: {  	_ = 	snop  }
0x4: {  	_ = 	snop  }
0x5: {  	_ = 	snop  }
0x6: {  	_ = 	snop  }
0x7: {  	_ = 	snop  }
__scs_overlays_trampoline_lowered:
0x8: {  	[smem:$0x3FA9] =	sst s0  }
0x9: {  	[smem:$0x3FAA] =	sst s1  }
0xa: {  	[smem:$0x3FAB] =	sst s2  }
0xb: {  	[smem:$0x3FAC] =	sst s3  }
0xc: {  	[smem:$0x3FAD] =	sst s4  }
0xd: {  	[smem:$0x3FAE] =	sst s5  }
0xe: {  	[smem:$0x3FAF] =	sst s6  }
0xf: {  	[smem:$0x3FB0] =	sst s7  }
0x10: {  	[smem:$0x3FB1] =	sst s8  }
0x11: {  	[smem:$0x3FB2] =	sst s9;
	s0 =	simm.s32 @!p0 $0x0  }
0x12: {  	s1 =	sld [smem:$0x3F98];
	s0 =	simm.s32 @p0 $0x1  }
0x13: {  	[smem:$0x3FB3] =	sst s0;
	s0 =	simm.s32 @!p1 $0x0  }
0x14: {  	s2 =	sld [smem:$0x3F97];
	s0 =	simm.s32 @p1 $0x1  }
0x15: {  	[smem:$0x3FB4] =	sst s0;
	s0 =	simm.s32 @!p2 $0x0  }
0x16: {  	s3 =	sld [smem:$0x3FDB];
	s0 =	simm.s32 @p2 $0x1  }
0x17: {  	s4 =	simm.s32 $0x1BF5;
	[smem:$0x3FB6] =	sst s0  }
0x18: {  	s0 =	sld [smem:$0x3F99];
	_ =	swait.ge [sflag:s4], $0x0  }
0x19: {  	s7 =	sld [smem:$0x3F9A]  }
0x1a: {  	s8 =	sadd.s32 $0xFFFFE003, lr  }
0x1b: {  	s9 =	sadd.s32 $0xFFFFFEF7, lr;
	s5 =	simm.s32 $0xFFFFFFFF;
	p2 =	slt.u32 s8, $0xFFFFF086  }
0x1c: {  	p1 =	slt.u32 s9, $0xF7A;
	s5 =	simm.s32 @!p2 $0x0  }
0x1d: {  	s5 =	simm.s32 @p1 $0x1;
	p0 =	seq.s32 s7, s2  }
0x1e: {  	s7 =	smul.u32 @!p0 $0xF7A, s2;
	p2 =	seq.s32 @!p0 s5, $0x0  }
0x1f: {  	s9 =	smul.u32 $0xF7A, s1;
	s8 =	simm.s32 @!p0 $0x1BF5;
	p2 =	por !p2, p0  }
0x20: {  	[sflag:s8] =	ssyncset.s32 @!p0 $0xFFFFF086;
	s6 =	sadd.s32 @!p0 s3, s7;
	s7 =	simm.s32 @!p0 $0x108  }
0x21: {  	s3 =	sadd.s32 s3, s9;
	s6 =	sadd.s32 @!p0 $0x88, s6;
	s7 =	simm.s32 @p2 $0x1082  }
0x22: {  	[simem:s7], [sflag:s8] =	dma.local @!p0 [hbm:s6], $0xF7A  }
0x23: {  	s9 =	sor.u32 $0xD0000000, s2;
	s6 =	simm.s32 $0x108;
	_ =	swait.ge @!p0 [sflag:s8], $0x0  }
0x24: {  	s3 =	sadd.s32 $0x88, s3;
	s6 =	simm.s32 @!p1 $0x1082;
	[sflag:s4] =	ssyncset.s32 $0xFFFFF086  }
0x25: {  	[simem:s6], [sflag:s4] =	dma.local [hbm:s3], $0xF7A  }
0x26: {  	[smem:$0x3F9A] =	sst s1;
	(tag) =	ssettag s2;
	_ =	strace s9  }
0x27: {  	s1 =	sld [smem:$0x3FAA]  }
0x28: {  	s2 =	sld [smem:$0x3FAB]  }
0x29: {  	s4 =	sld [smem:$0x3FAD]  }
0x2a: {  	p0 =	seq.s32 s5, $0x0;
	s5 =	sld [smem:$0x3FAE]  }
0x2b: {  	s6 =	sld [smem:$0x3FAF]  }
0x2c: {  	s7 =	sld [smem:$0x3FB0]  }
0x2d: {  	s3 =	simm.s32 $0x108;
	s8 =	sld [smem:$0x3FB1]  }
0x2e: {  	s3 =	simm.s32 @!p0 $0x1082;
	s9 =	sld [smem:$0x3FB2]  }
0x2f: {  	lr =	sadd.s32 s0, s3;
	s0 =	sld [smem:$0x3FA9]  }
0x30: {  	s3 =	sld [smem:$0x3FAC]  }
0x31: {  	[smem:$0x3FB5] =	sst s10  }
0x32: {  	s10 =	sld [smem:$0x3FB3];
	_ =	sdelay $0x3  }
0x33: {  	p0 =	seq.s32 s10, $0x1;
	s10 =	sld [smem:$0x3FB5];
	_ =	sdelay $0x3  }
0x34: {  	[smem:$0x3FB5] =	sst s10  }
0x35: {  	s10 =	sld [smem:$0x3FB4];
	_ =	sdelay $0x3  }
0x36: {  	p1 =	seq.s32 s10, $0x1;
	s10 =	sld [smem:$0x3FB5];
	_ =	sdelay $0x3  }
0x37: {  	[smem:$0x3FB5] =	sst s10  }
0x38: {  	s10 =	sld [smem:$0x3FB6]  }
0x39: {  	_ = 	snop;
	(pc) =	sbr.ind lr, $3  }
0x3a: {  	_ = 	snop  }
0x3b: {  	_ = 	snop  }
0x3c: {  	p2 =	seq.s32 s10, $0x1;
	s10 =	sld [smem:$0x3FB5]  }
0x3d: {  	_ =	shalt  }
0x3e: {  	_ =	shalt  }
0x3f: {  	_ =	shalt  }
0x40: {  	_ =	shalt  }
0x41: {  	_ =	shalt  }
0x42: {  	_ =	shalt  }
0x43: {  	_ =	shalt  }
0x44: {  	_ =	shalt  }
0x45: {  	_ =	shalt  }
0x46: {  	_ =	shalt  }
0x47: {  	_ =	shalt  }
0x48: {  	_ =	shalt  }
0x49: {  	_ =	shalt  }
0x4a: {  	_ =	shalt  }
0x4b: {  	_ =	shalt  }
0x4c: {  	_ =	shalt  }
0x4d: {  	_ =	shalt  }
0x4e: {  	_ =	shalt  }
0x4f: {  	_ =	shalt  }
0x50: {  	_ =	shalt  }
0x51: {  	_ =	shalt  }
0x52: {  	_ =	shalt  }
0x53: {  	_ =	shalt  }
0x54: {  	_ =	shalt  }
0x55: {  	_ =	shalt  }
0x56: {  	_ =	shalt  }
0x57: {  	_ =	shalt  }
0x58: {  	_ =	shalt  }
0x59: {  	_ =	shalt  }
0x5a: {  	_ =	shalt  }
0x5b: {  	_ =	shalt  }
0x5c: {  	_ =	shalt  }
0x5d: {  	_ =	shalt  }
0x5e: {  	_ =	shalt  }
0x5f: {  	_ =	shalt  }
0x60: {  	_ =	shalt  }
0x61: {  	_ =	shalt  }
0x62: {  	_ =	shalt  }
0x63: {  	_ =	shalt  }
0x64: {  	_ =	shalt  }
0x65: {  	_ =	shalt  }
0x66: {  	_ =	shalt  }
0x67: {  	_ =	shalt  }
0x68: {  	_ =	shalt  }
0x69: {  	_ =	shalt  }
0x6a: {  	_ =	shalt  }
0x6b: {  	_ =	shalt  }
0x6c: {  	_ =	shalt  }
0x6d: {  	_ =	shalt  }
0x6e: {  	_ =	shalt  }
0x6f: {  	_ =	shalt  }
0x70: {  	_ =	shalt  }
0x71: {  	_ =	shalt  }
0x72: {  	_ =	shalt  }
0x73: {  	_ =	shalt  }
0x74: {  	_ =	shalt  }
0x75: {  	_ =	shalt  }
0x76: {  	_ =	shalt  }
0x77: {  	_ =	shalt  }
0x78: {  	_ =	shalt  }
0x79: {  	_ =	shalt  }
0x7a: {  	_ =	shalt  }
0x7b: {  	_ =	shalt  }
0x7c: {  	_ =	shalt  }
0x7d: {  	_ =	shalt  }
0x7e: {  	_ =	shalt  }
0x7f: {  	_ =	shalt  }
0x80: {  	_ =	shalt  }
0x81: {  	_ =	shalt  }
0x82: {  	_ =	shalt  }
0x83: {  	_ =	shalt  }
0x84: {  	_ =	shalt  }
0x85: {  	_ =	shalt  }
0x86: {  	_ =	shalt  }
0x87: {  	_ =	shalt  }
.Lfunc_end0:
.L_simem_size_0:
called_computation_lowered:
.L_overlay_start_0:
0x88: {  	s2 =	sld [smem:$0x3FD9]  }
0x89: {  	s3 =	sld [smem:$0x3FFE];
	_ =	sdelay $0x1  }
0x8a: {  	s1 =	srdreg.scid  }
0x8b: {  	s0 =	sand.u32 $0x1, s1  }
0x8c: {  	s14 =	sshll.u32 s0, $0xA;
	s2 =	sadd.s32 s3, s2  }
0x8d: {  	s2 =	sadd.s32 s2, s14  }
0x8e: {  	[smem:$0x3FC1] =	sst s2  }
0x8f: {  	_ = 	snop  }
0x90: {  	s2 =	sld [smem:$0x3FD0];
	_ =	sdelay $0x2  }
0x91: {  	s15 =	simm.s32 $0xA;
	s4 =	simm.s32 $0x10  }
0x92: {  	[smem:s4], [sflag:s15] =	dma.local [hbm:s2], $0x1  }
0x93: {  	_ =	swait.eq [sflag:s15], $0x1  }
0x94: {  	[sflag:s15] =	ssyncset.done $0x0  }
0x95: {  	s16 =	sld [smem:$0x10];
	[sflag:s15] =	ssyncadd.s32 $0xFFFFFFFF  }
0x96: {  	s17 =	sld [smem:$0x11];
	(tm) =	ssettm $0x1  }
0x97: {  	s18 =	sld [smem:$0x3FFB];
	_ =	sdelay $0x3  }
0x98: {  	_ =	strace s18  }
0x99: {  	s4 =	sld [smem:$0x3FFC];
	_ =	sdelay $0x3  }
0x9a: {  	_ =	strace s4  }
0x9b: {  	s4 =	sld [smem:$0x3FFD];
	_ =	sdelay $0x3  }
0x9c: {  	_ =	strace s4  }
0x9d: {  	_ =	strace $0x8FFFFFFF  }
0x9e: {  	s19 =	sld [smem:$0x3FDB];
	_ =	sdelay $0x1  }
0x9f: {  	s5 =	simm.s32 $_scs_section_size  }
0xa0: {  	s6 =	simm.s32 $_size__tile_overlayer_lowered;
	s7 =	simm.s32 $_tile_overlayer_lowered  }
0xa1: {  	s22 =	simm.s32 $0x1BFF;
	s21 =	sshll.u32 s7, $0x1;
	s4 =	sadd.s32 s5, s19  }
0xa2: {  	s8 =	simm.s32 $0x0;
	s20 =	sshll.u32 s6, $0x1;
	s6 =	sadd.s32 s21, s4  }
0xa3: {  	[timem:s8], [sflag:s22] =	dma.local [hbm:s6], s20  }
0xa4: {  	_ =	swait.ge [sflag:s22], s20  }
0xa5: {  	s5 =	ssub.s32 $0x0, s20;
	[sflag:s22] =	ssyncset.done $0x0  }
0xa6: {  	[sflag:s22] =	ssyncadd.s32 s5;
	_ =	sdelay $0x1  }
0xa7: {  	s23 =	simm.s32 $0x1B8B  }
0xa8: {  	_ =	swait.ge [sflag:s23], $0x1  }
0xa9: {  	[sflag:s23] =	ssyncset.done $0x0  }
0xaa: {  	s25 =	simm.s32 $0x1B8E;
	s24 =	sld [smem:$0x3FFE];
	[sflag:s23] =	ssyncadd.s32 $0xFFFFFFFF  }
0xab: {  	s26 =	simm.s32 $execute0_lowered;
	[smem:$0x3FD2] =	sst s25  }
0xac: {  	s6 =	sshll.u32 s26, $0x1;
	_ =	strace $0x80000046;
	[dreg:$0x1] =	wrdreg $0xFFFFFFFF  }
0xad: {  	s28 =	simm.s32 $_size_execute0_lowered;
	s4 =	sadd.s32 s4, s6;
	[dreg:$0x0] =	wrdreg $0x0  }
0xae: {  	s6 =	sshll.u32 s28, $0x1;
	[dreg:$0x2] =	wrdreg s4  }
0xaf: {  	[dreg:$0x3] =	wrdreg s6  }
0xb0: {  	[dreg:$0x4] =	wrdreg $0xC0  }
0xb1: {  	_ =	task [dreg:s8], $0x5FFFF  }
0xb2: {  	[dreg:$0x1] =	wrdreg $0xFFFFFFFF  }
0xb3: {  	[dreg:$0x0] =	wrdreg $0x60  }
0xb4: {  	[dreg:$0x2] =	wrdreg s24  }
0xb5: {  	[dreg:$0x3] =	wrdreg s17  }
0xb6: {  	[dreg:$0x4] =	wrdreg s16  }
0xb7: {  	[dreg:$0x5] =	wrdreg $0x9  }
0xb8: {  	_ =	task.clear_ibuf [dreg:s8], $0x6FFFF;
	_ =	strace $0x90000046  }
0xb9: {  	s29 =	simm.s32 $0x9;
	_ =	strace $0x80000048  }
0xba: {  	_ =	swait.ge [sflag:s29], $0x1  }
0xbb: {  	[sflag:s29] =	ssyncadd.s32 $0xFFFFFFFF  }
0xbc: {  	_ =	strace $0x90000048  }
0xbd: {  	_ =	sfence  }
0xbe: {  	s30 =	sld [smem:$0x0];
	_ =	sdelay $0x2  }
0xbf: {  	s31 =	sshll.u32 s1, $0xD;
	s1 =	sshrl.u32 s1, $0x2  }
0xc0: {  	s3 =	sand.u32 $0x4000, s31;
	s1 =	sadd.s32 s1, s30  }
0xc1: {  	s0 =	sor.u32 s3, s0;
	s1 =	sshll.u32 s1, $0x11  }
0xc2: {  	s0 =	sor.u32 s1, s0  }
0xc3: {  	s0 =	sadd.s32 $0x8F2B, s0  }
0xc4: {  	[sflag:s0] =	ssyncadd.remote.s32 $0x1  }
0xc5: {  	_ =	sfence.sel $0xFFFF  }
0xc6: {  	[dreg:$0x0] =	wrdreg $0xFFFFFFFF;
	(pc) =	sbr.abs _section_cstart, $3  }
0xc7: {  	[dreg:$0x1] =	wrdreg $0xFFFFFFFF  }
0xc8: {  	_ =	task.clear_ibuf [dreg:s8], $0x2FFFF;
	_ =	strace $0x9FFFFFFF  }
0xc9: {  	(tm) =	ssettm $0x7FFFFFFF  }
tec
execute0_lowered:
.L_overlay_start_1:
0x0: {  	(tag) =	ssettag $0x1  }
0x1: {  	s5 =	rddreg [dreg:$0x0];
	s1 =	srdreg.scid  }
0x2: {  	s3 =	rddreg [dreg:$0x1];
	s0 =	stileid.u32;
	s23 =	sand.u32 $0x1, s1  }
0x3: {  	s22 =	rddreg [dreg:$0x2];
	s4 =	sshll.u32 s0, $0xA;
	s6 =	sshll.u32 s23, $0x9  }
0x4: {  	s2 =	simm.s32 $0x0;
	s1 =	rddreg [dreg:$0x3];
	s24 =	sor.u32 s6, s4  }
0x5: {  	[smem:$0x7FF] =	sst s2;
	s4 =	sshrl.u32 s24, $0x3  }
0x6: {  	_ =	strace $0x80000047;
	s4 =	sadd.s32 s3, s4;
	s3 =	simm.s32 $0x2  }
0x7: {  	[tilespmem:s2], [sflag:$0x2] =	stream.linear.gather [hbm4b:s4+s2], $0x200, $0x38;
	[tilespmem:$0x8200] =	vst v63  }
0x8: {  	_ =	swait.ge [sflag:s3], $0x200  }
0x9: {  	s7 =	simm.s32 $0x200;
	[sflag:s3] =	ssyncset.done $0x0  }
0xa: {  	s5 =	sadd.s32 $0x81A00, s5;
	s6 =	simm.s32 $0x40;
	[sflag:s3] =	ssyncadd.s32 $0xFFFFFE00  }
0xb: {  	[tilespmem:s7], [sflag:$0x1] =	stream.indirect.gather [hbm4b:s5+s6], $0x40, s2, s6, $0xb8;
	[tilespmem:$0x8200] =	vst v63  }
0xc: {  	s8 =	simm.s32 $0x1200  }
0xd: {  	[tilespmem:s8], [sflag:$0x1] =	stream.indirect.gather [hbm4b:s5+s6], $0x40, s6, s6, $0xb8;
	[tilespmem:$0x8200] =	vst v63  }
0xe: {  	s9 =	simm.s32 $0x80;
	s10 =	simm.s32 $0x2200  }
0xf: {  	[tilespmem:s10], [sflag:$0x1] =	stream.indirect.gather [hbm4b:s5+s6], $0x40, s9, s6, $0xb8;
	[tilespmem:$0x8200] =	vst v63  }
0x10: {  	s11 =	simm.s32 $0xC0;
	s12 =	simm.s32 $0x3200  }
0x11: {  	[tilespmem:s12], [sflag:$0x1] =	stream.indirect.gather [hbm4b:s5+s6], $0x40, s11, s6, $0xb8;
	[tilespmem:$0x8200] =	vst v63  }
0x12: {  	s13 =	simm.s32 $0x100;
	s14 =	simm.s32 $0x4200  }
0x13: {  	[tilespmem:s14], [sflag:$0x1] =	stream.indirect.gather [hbm4b:s5+s6], $0x40, s13, s6, $0xb8;
	[tilespmem:$0x8200] =	vst v63  }
0x14: {  	s15 =	simm.s32 $0x140;
	s16 =	simm.s32 $0x5200  }
0x15: {  	[tilespmem:s16], [sflag:$0x1] =	stream.indirect.gather [hbm4b:s5+s6], $0x40, s15, s6, $0xb8;
	[tilespmem:$0x8200] =	vst v63  }
0x16: {  	s17 =	simm.s32 $0x180;
	s18 =	simm.s32 $0x6200  }
0x17: {  	[tilespmem:s18], [sflag:$0x1] =	stream.indirect.gather [hbm4b:s5+s6], $0x40, s17, s6, $0xb8;
	[tilespmem:$0x8200] =	vst v63  }
0x18: {  	s19 =	simm.s32 $0x1C0;
	s20 =	simm.s32 $0x7200;
	s21 =	simm.s32 $0x1  }
0x19: {  	[tilespmem:s20], [sflag:$0x1] =	stream.indirect.gather [hbm4b:s5+s6], $0x40, s19, s6, $0xb8;
	[tilespmem:$0x8200] =	vst v63  }
0x1a: {  	_ =	swait.ge [sflag:s21], $0x1000  }
0x1b: {  	[sflag:s21] =	ssyncset.done $0x0  }
0x1c: {  	[sflag:s21] =	ssyncadd.s32 $0xFFFFF000  }
0x1d: {  	_ =	swait.ge [sflag:s21], $0x1000  }
0x1e: {  	[sflag:s21] =	ssyncset.done $0x0  }
0x1f: {  	[sflag:s21] =	ssyncadd.s32 $0xFFFFF000  }
0x20: {  	_ =	swait.ge [sflag:s21], $0x1000  }
0x21: {  	[sflag:s21] =	ssyncset.done $0x0  }
0x22: {  	[sflag:s21] =	ssyncadd.s32 $0xFFFFF000  }
0x23: {  	_ =	swait.ge [sflag:s21], $0x1000  }
0x24: {  	[sflag:s21] =	ssyncset.done $0x0  }
0x25: {  	[sflag:s21] =	ssyncadd.s32 $0xFFFFF000  }
0x26: {  	_ =	swait.ge [sflag:s21], $0x1000  }
0x27: {  	[sflag:s21] =	ssyncset.done $0x0  }
0x28: {  	[sflag:s21] =	ssyncadd.s32 $0xFFFFF000  }
0x29: {  	_ =	swait.ge [sflag:s21], $0x1000  }
0x2a: {  	[sflag:s21] =	ssyncset.done $0x0  }
0x2b: {  	s23 =	ssub.s32 $0x2, s23;
	[sflag:s21] =	ssyncadd.s32 $0xFFFFF000  }
0x2c: {  	s25 =	sshrl.u32 s23, $0x1;
	_ =	swait.ge [sflag:s21], $0x1000  }
0x2d: {  	s23 =	ssub.s32 s23, s25;
	[sflag:s21] =	ssyncset.done $0x0  }
0x2e: {  	s23 =	smax.u32 s23, $0x1;
	[sflag:s21] =	ssyncadd.s32 $0xFFFFF000  }
0x2f: {  	p0 =	sne.s32 s23, $0x1;
	_ =	swait.ge [sflag:s21], $0x1000  }
.Ltmp0:
0x30: {  	s24 =	sshll.u32 s24, $0x3;
	[sflag:s21] =	ssyncset.done $0x0;
	(pc) =	sbr.rel @!p0 .LBB2_2-.Ltmp0, $4  }
0x31: {  	s22 =	sadd.s32 s22, s24;
	[sflag:s21] =	ssyncadd.s32 $0xFFFFF000  }
0x32: {  	[hbm4b:s22+s2] =	stream.linear.scatter [tilespmem:s7], [sflag:$0x2], $0x8000, $0x38;
	[tilespmem:$0x8200] =	vst v63  }
0x33: {  	_ =	swait.ge [sflag:s3], $0x8000  }
0x34: {  	s23 =	sadd.s32 $0xFFFFFFFF, s23;
	[sflag:s3] =	ssyncset.done $0x0  }
.LBB2_1:
0x35: {  	p0 =	sne.s32 s23, $0x1;
	s23 =	sadd.s32 $0xFFFFFFFF, s23;
	[sflag:s3] =	ssyncadd.s32 $0xFFFF8000  }
0x36: {  	[tilespmem:s2], [sflag:$0x2] =	stream.linear.gather [hbm4b:s4+s2], $0x200, $0x38;
	[tilespmem:$0x8200] =	vst v63  }
0x37: {  	_ =	swait.ge [sflag:s3], $0x200  }
0x38: {  	[sflag:s3] =	ssyncset.done $0x0  }
0x39: {  	[sflag:s3] =	ssyncadd.s32 $0xFFFFFE00  }
0x3a: {  	[tilespmem:s7], [sflag:$0x1] =	stream.indirect.gather [hbm4b:s5+s6], $0x40, s2, s6, $0xb8;
	[tilespmem:$0x8200] =	vst v63  }
0x3b: {  	_ = 	snop  }
0x3c: {  	[tilespmem:s8], [sflag:$0x1] =	stream.indirect.gather [hbm4b:s5+s6], $0x40, s6, s6, $0xb8;
	[tilespmem:$0x8200] =	vst v63  }
0x3d: {  	_ = 	snop  }
0x3e: {  	[tilespmem:s10], [sflag:$0x1] =	stream.indirect.gather [hbm4b:s5+s6], $0x40, s9, s6, $0xb8;
	[tilespmem:$0x8200] =	vst v63  }
0x3f: {  	_ = 	snop  }
0x40: {  	[tilespmem:s12], [sflag:$0x1] =	stream.indirect.gather [hbm4b:s5+s6], $0x40, s11, s6, $0xb8;
	[tilespmem:$0x8200] =	vst v63  }
0x41: {  	_ = 	snop  }
0x42: {  	[tilespmem:s14], [sflag:$0x1] =	stream.indirect.gather [hbm4b:s5+s6], $0x40, s13, s6, $0xb8;
	[tilespmem:$0x8200] =	vst v63  }
0x43: {  	_ = 	snop  }
0x44: {  	[tilespmem:s16], [sflag:$0x1] =	stream.indirect.gather [hbm4b:s5+s6], $0x40, s15, s6, $0xb8;
	[tilespmem:$0x8200] =	vst v63  }
0x45: {  	_ = 	snop  }
0x46: {  	[tilespmem:s18], [sflag:$0x1] =	stream.indirect.gather [hbm4b:s5+s6], $0x40, s17, s6, $0xb8;
	[tilespmem:$0x8200] =	vst v63  }
0x47: {  	_ = 	snop  }
0x48: {  	[tilespmem:s20], [sflag:$0x1] =	stream.indirect.gather [hbm4b:s5+s6], $0x40, s19, s6, $0xb8;
	[tilespmem:$0x8200] =	vst v63  }
0x49: {  	_ =	swait.ge [sflag:s21], $0x1000  }
0x4a: {  	[sflag:s21] =	ssyncset.done $0x0  }
0x4b: {  	[sflag:s21] =	ssyncadd.s32 $0xFFFFF000  }
0x4c: {  	_ =	swait.ge [sflag:s21], $0x1000  }
0x4d: {  	[sflag:s21] =	ssyncset.done $0x0  }
0x4e: {  	[sflag:s21] =	ssyncadd.s32 $0xFFFFF000  }
0x4f: {  	_ =	swait.ge [sflag:s21], $0x1000  }
0x50: {  	[sflag:s21] =	ssyncset.done $0x0  }
0x51: {  	[sflag:s21] =	ssyncadd.s32 $0xFFFFF000  }
0x52: {  	_ =	swait.ge [sflag:s21], $0x1000  }
0x53: {  	[sflag:s21] =	ssyncset.done $0x0  }
0x54: {  	[sflag:s21] =	ssyncadd.s32 $0xFFFFF000  }
0x55: {  	_ =	swait.ge [sflag:s21], $0x1000  }
0x56: {  	[sflag:s21] =	ssyncset.done $0x0  }
0x57: {  	[sflag:s21] =	ssyncadd.s32 $0xFFFFF000  }
0x58: {  	_ =	swait.ge [sflag:s21], $0x1000  }
0x59: {  	[sflag:s21] =	ssyncset.done $0x0  }
0x5a: {  	[sflag:s21] =	ssyncadd.s32 $0xFFFFF000  }
0x5b: {  	_ =	swait.ge [sflag:s21], $0x1000  }
0x5c: {  	[sflag:s21] =	ssyncset.done $0x0  }
0x5d: {  	[sflag:s21] =	ssyncadd.s32 $0xFFFFF000  }
0x5e: {  	_ =	swait.ge [sflag:s21], $0x1000  }
.Ltmp1:
0x5f: {  	[sflag:s21] =	ssyncset.done $0x0;
	(pc) =	sbr.rel @p0 .LBB2_1-.Ltmp1, $4  }
0x60: {  	[sflag:s21] =	ssyncadd.s32 $0xFFFFF000  }
0x61: {  	[hbm4b:s22+s2] =	stream.linear.scatter [tilespmem:s7], [sflag:$0x2], $0x8000, $0x38;
	[tilespmem:$0x8200] =	vst v63  }
0x62: {  	_ =	swait.ge [sflag:s3], $0x8000  }
0x63: {  	[sflag:s3] =	ssyncset.done $0x0  }
.LBB2_2:
0x64: {  	[sflag:s3] =	ssyncadd.s32 $0xFFFF8000  }
0x65: {  	_ =	sfence.sel $0x180000  }
0x66: {  	[bflag:$0x0] =	sbarrier.arrive $0xFFFF  }
0x67: {  	p0 =	sne.s32 s0, $0x0;
	_ =	strace $0x90000047  }
0x68: {  	s0 =	sadd.s32 @!p0 $0x100000, s1;
	[bflag:$0x2] =	sbarrier.arrive $0xFFFF  }
0x69: {  	[sflag:s0] =	ssyncadd.tile.s32 @!p0 $0x1;
	_ =	shalt  }
.Lfunc_end2:
_tile_overlayer_lowered:
.L_overlay_start_2:
0x6a: {  	(tag) =	ssettag $0x2  }
0x6b: {  	s0 =	rddreg [dreg:$0x0];
	s2 =	stileid.u32  }
0x6c: {  	s1 =	rddreg [dreg:$0x1];
	p0 =	sne.s32 s2, $0x0  }
0x6d: {  	s3 =	rddreg [dreg:$0x2];
	[bflag:$0x3] =	sbarrier.arrive $0xFFFF;
	s2 =	simm.s32 @!p0 $0x1C02  }
0x6e: {  	[timem:s3], [sflag:s2] =	dma.local @!p0 [hbm:s0], s1  }
0x6f: {  	s0 =	simm.s32 @!p0 $0x2  }
0x70: {  	_ =	swait.ge @!p0 [sflag:s0], s1  }
0x71: {  	s1 =	ssub.s32 @!p0 $0x0, s1;
	[sflag:s0] =	ssyncset.done @!p0 $0x0  }
0x72: {  	[sflag:s0] =	ssyncadd.s32 @!p0 s1  }
0x73: {  	[bflag:$0x3] =	sbarrier.arrive $0xFFFF  }
0x74: {  	_ =	shalt  }

</sc_bundles>
